<compile_context>
chip_gen: v7x
topology: tpu7x:2x2x1
jax: 0.10.2.dev20260603
libtpu: 0.0.44.dev20260713+nightly
codegen_flags: <defaults>
</compile_context>

<pallas_src>
import functools

import jax
import jax.numpy as jnp
from jax import lax
from jax.experimental import pallas as pl
from jax.experimental.pallas import tpu as pltpu
from jax.experimental.pallas import tpu_sc as plsc

NUM_BINS = 2048
L = 16
NC = 2
NS = 16
NW = NC * NS
ROWS = 8192
COLS = 4096
ROWS_W = ROWS // NW
RB = 8
N_CHUNKS = ROWS_W // RB
CG = 4

FBIAS = float(2**23) - 0.5
IBIAS = 0x4B000000
YCLAMP = 8390655.0
REGION = NUM_BINS + 16

_mesh = plsc.VectorSubcoreMesh(core_axis_name="c", subcore_axis_name="s")


@functools.partial(
    pl.kernel,
    out_type=jax.ShapeDtypeStruct((NW * NUM_BINS,), jnp.float32),
    mesh=_mesh,
    scratch_types=[
        pltpu.VMEM((RB, COLS), jnp.float32),
        pltpu.VMEM((RB, COLS), jnp.float32),
        pltpu.VMEM((L * REGION,), jnp.float32),
        pltpu.VMEM((NUM_BINS,), jnp.float32),
        pltpu.VMEM((L,), jnp.float32),
        pltpu.SemaphoreType.DMA,
        pltpu.SemaphoreType.DMA,
    ],
    compiler_params=pltpu.CompilerParams(
        needs_layout_passes=False, use_tc_tiling_on_sc=True
    ),
)
def _hist_kernel(x_hbm, scale_hbm, out_hbm, buf0, buf1, hist, final, scalebuf,
                 sem0, sem1):
    wid = lax.axis_index("s") * NC + lax.axis_index("c")
    row_base = wid * ROWS_W

    pltpu.sync_copy(scale_hbm, scalebuf)
    vscale = scalebuf[...]

    zeros = jnp.zeros((L,), jnp.float32)

    @plsc.parallel_loop(0, (L * REGION) // L, unroll=8)
    def _(i):
        hist[pl.ds(i * L, L)] = zeros

    lane_adj = lax.iota(jnp.int32, L) * REGION + (16 - IBIAS)
    ones = jnp.ones((L,), jnp.float32)
    vclamp = jnp.full((L,), YCLAMP, jnp.float32)
    vbias = jnp.full((L,), FBIAS, jnp.float32)

    bufs = (buf0, buf1)
    sems = (sem0, sem1)

    def copy(c, slot):
        return pltpu.make_async_copy(
            x_hbm.at[pl.ds(row_base + c * RB, RB), :], bufs[slot], sems[slot]
        )

    def process(slot_ref):
        @plsc.parallel_loop(0, COLS // (L * CG), unroll=1)
        def _(i):
            o = i * (L * CG)
            vs = [slot_ref[r, pl.ds(o + g * L, L)]
                  for r in range(RB) for g in range(CG)]
            ys = [jnp.minimum(jnp.abs(v * vscale) + vbias, vclamp) for v in vs]
            idxs = [plsc.bitcast(y, jnp.int32) + lane_adj for y in ys]
            for ix in idxs:
                plsc.addupdate_scatter(hist, [ix], ones)

    copy(0, 0).start()

    def pair_body(p, _):
        c0 = p * 2
        copy(c0 + 1, 1).start()
        copy(c0, 0).wait()
        process(buf0)

        @pl.when(c0 + 2 < N_CHUNKS)
        def _():
            copy(c0 + 2, 0).start()

        copy(c0 + 1, 1).wait()
        process(buf1)
        return 0

    lax.fori_loop(0, N_CHUNKS // 2, pair_body, 0)

    @plsc.parallel_loop(0, NUM_BINS // L, unroll=2)
    def _(b):
        acc = hist[pl.ds(16 + b * L, L)]
        for lane in range(1, L):
            acc = acc + hist[pl.ds(lane * REGION + 16 + b * L, L)]
        final[pl.ds(b * L, L)] = acc

    jv = plsc.load_gather(hist, [lax.iota(jnp.int32, L) * REGION + 15])
    js = jnp.sum(jv)
    first = final[pl.ds(0, L)]
    final[pl.ds(0, L)] = first + jnp.where(
        lax.iota(jnp.int32, L) == 0, js, jnp.zeros((L,), jnp.float32))

    pltpu.sync_copy(final, out_hbm.at[pl.ds(wid * NUM_BINS, NUM_BINS)])


def _tc_max_body(x_ref, o_ref):
    i = pl.program_id(0)
    m = jnp.max(jnp.abs(x_ref[...])).reshape(1, 1)

    @pl.when(i == 0)
    def _():
        o_ref[...] = m

    @pl.when(i > 0)
    def _():
        o_ref[...] = jnp.maximum(o_ref[...], m)


_tc_max = pl.pallas_call(
    _tc_max_body,
    grid=(16,),
    in_specs=[pl.BlockSpec((512, 4096), lambda i: (i, 0))],
    out_specs=pl.BlockSpec((1, 1), lambda i: (0, 0)),
    out_shape=jax.ShapeDtypeStruct((1, 1), jnp.float32),
)


def _tc_copy_body(x_ref, o_ref):
    o_ref[...] = x_ref[...]


_tc_copy = pl.pallas_call(
    _tc_copy_body,
    grid=(32,),
    in_specs=[pl.BlockSpec((256, 4096), lambda i: (i, 0))],
    out_specs=pl.BlockSpec((256, 4096), lambda i: (i, 0)),
    out_shape=jax.ShapeDtypeStruct((8192, 4096), jnp.float32),
)


def kernel(x):
    x2d = x.reshape(ROWS, COLS)
    x_max = _tc_max(x2d)[0, 0]
    scale = jnp.where(x_max > 0.0, NUM_BINS / x_max, 0.0)
    scale_vec = jnp.full((L,), scale, jnp.float32)
    part_hist = _hist_kernel(x2d, scale_vec).reshape(NW, NUM_BINS)
    hist = jnp.sum(part_hist, axis=0)
    x_out = _tc_copy(x2d).reshape(x.shape)
    edges = jnp.linspace(0.0, x_max, NUM_BINS + 1).astype(jnp.float32)
    return (x_out, hist, edges)

# --- scband reference (transcript-rebuilt; emitter-appended) ---
"""Pipeline reference for scband-calib-observer-15719580304186 (READ-ONLY COPY).

The authoritative reference and input builder live on the scoring server;
editing this copy changes nothing except your own understanding.
"""

import jax, jax.numpy as jnp
import numpy as np

NUM_BINS = 2048

def setup_inputs(seed: int = 0) -> dict:
    key = jax.random.key(seed)
    x = jax.random.normal(key, (2, 4096, 4096), dtype=jnp.float32)
    return {"x": x}

def reference(x):
    # forward: collect(x.detach()); return x
    xd = jax.lax.stop_gradient(x)
    # if min(x) < 0: x = x.abs()
    xa = jnp.where(jnp.min(xd) < 0.0, jnp.abs(xd), xd).astype(jnp.float32)
    x_max = jnp.max(xa)
    # torch.histc(x, bins=NUM_BINS, min=0, max=x_max): width = x_max/NUM_BINS,
    # values equal to x_max land in the last bin.
    width = x_max / NUM_BINS
    bin_idx = jnp.clip(jnp.floor(xa / width).astype(jnp.int32), 0, NUM_BINS - 1)
    calib_hist = jnp.zeros((NUM_BINS,), dtype=jnp.float32).at[bin_idx.reshape(-1)].add(1.0)
    calib_bin_edges = jnp.linspace(0.0, x_max, NUM_BINS + 1).astype(jnp.float32)
    return (x, calib_hist, calib_bin_edges)

if __name__ == "__main__":
    import jax
    _d = setup_inputs()
    print(jax.jit(kernel)(*tuple(_d.values())))

</pallas_src>

<mosaic_0001>
#map = affine_map<(d0, d1) -> (0, 0)>
#map1 = affine_map<(d0, d1) -> (0)>
module attributes {stable_mosaic.version = 14 : i64} {
  func.func @_hist_kernel(%arg0: i32, %arg1: i32, %arg2: memref<8192x4096xf32, #tpu.memory_space<hbm>>, %arg3: memref<16xf32, #tpu.memory_space<hbm>>, %arg4: memref<65536xf32, #tpu.memory_space<hbm>>, %arg5: memref<8x4096xf32, #tpu.memory_space<vmem>>, %arg6: memref<8x4096xf32, #tpu.memory_space<vmem>>, %arg7: memref<33024xf32, #tpu.memory_space<vmem>>, %arg8: memref<2048xf32, #tpu.memory_space<vmem>>, %arg9: memref<16xf32, #tpu.memory_space<vmem>>, %arg10: memref<!tpu.dma_semaphore, #tpu.memory_space<semaphore_mem>>, %arg11: memref<!tpu.dma_semaphore, #tpu.memory_space<semaphore_mem>>) attributes {dimension_semantics = [#tpu.dimension_semantics<core_parallel>, #tpu.dimension_semantics<subcore_parallel>], iteration_bounds = array<i64: 2, 16>, scalar_prefetch = 0 : i64, scratch_operands = 7 : i64, tpu.core_type = #tpu.core_type<sc_vector_subcore>, window_params = [{transform_indices = #map}, {transform_indices = #map1}, {transform_indices = #map1}]} {
    %mul3A = arith.constant 2 : i32
    %mul3A_0 = arith.muli %arg1, %mul3A : i32
    %add3A = arith.addi %mul3A_0, %arg0 : i32
    %mul3A_1 = arith.constant 256 : i32
    %mul3A_2 = arith.muli %add3A, %mul3A_1 : i32
    "tpu.region"() ({
      %run_scoped3A = tpu.sem_alloc : memref<!tpu.dma_semaphore, #tpu.memory_space<semaphore_mem>>
      tpu.enqueue_dma source(%arg3 : memref<16xf32, #tpu.memory_space<hbm>>) target(%arg9 : memref<16xf32, #tpu.memory_space<vmem>>) target_semaphore(%run_scoped3A : memref<!tpu.dma_semaphore, #tpu.memory_space<semaphore_mem>>)
      tpu.wait_dma2 semaphore(%run_scoped3A : memref<!tpu.dma_semaphore, #tpu.memory_space<semaphore_mem>>) src(%arg3 : memref<16xf32, #tpu.memory_space<hbm>>) dst(%arg9 : memref<16xf32, #tpu.memory_space<vmem>>)
      tpu.yield
    }) : () -> ()
    %get3A = arith.constant 0 : index
    %get3A_3 = tpu.vector_load %arg9[%get3A] {strides = array<i32>} : memref<16xf32, #tpu.memory_space<vmem>>, vector<16xf32>,
    %broadcast_in_dim3A = arith.constant 0.000000e+00 : f32
    %broadcast_in_dim3A_4 = vector.broadcast %broadcast_in_dim3A : f32 to vector<16xf32>
    %parallel_loop3A = arith.constant 0 : i32
    %parallel_loop3A_5 = arith.constant 2064 : i32
    %parallel_loop3A_6 = arith.constant 1 : i32
    scf.for %parallel_loop3A_55 = %parallel_loop3A to %parallel_loop3A_5 step %parallel_loop3A_6  : i32 {
      %parallel_loop3A_56 = arith.constant 16 : i32
      %parallel_loop3A_57 = arith.muli %parallel_loop3A_55, %parallel_loop3A_56 : i32
      %parallel_loop3A_58 = arith.index_cast %parallel_loop3A_57 : i32 to index
      %parallel_loop3A_59 = tpu.vector_load %arg7[%parallel_loop3A_58] {strides = array<i32>} : memref<33024xf32, #tpu.memory_space<vmem>>, vector<16xf32>,
      tpu.vector_store %arg7[%parallel_loop3A_58], %broadcast_in_dim3A_4 {strides = array<i32>} : memref<33024xf32, #tpu.memory_space<vmem>>, vector<16xf32>,
    } {sc.loop_unroll_factor = 8 : i64, sc.parallel_access}
    %iota3A = tpu.iota {dimensions = array<i32: 0>} : vector<16xi32>
    %mul3A_7 = arith.constant 2064 : i32
    %mul3A_8 = vector.broadcast %mul3A_7 : i32 to vector<16xi32>
    %mul3A_9 = arith.muli %iota3A, %mul3A_8 : vector<16xi32>
    %add3A_10 = arith.constant -1258291184 : i32
    %add3A_11 = vector.broadcast %add3A_10 : i32 to vector<16xi32>
    %add3A_12 = arith.addi %mul3A_9, %add3A_11 : vector<16xi32>
    %broadcast_in_dim3A_13 = arith.constant 1.000000e+00 : f32
    %broadcast_in_dim3A_14 = vector.broadcast %broadcast_in_dim3A_13 : f32 to vector<16xf32>
    %broadcast_in_dim3A_15 = arith.constant 0x4B0007FF : f32
    %broadcast_in_dim3A_16 = vector.broadcast %broadcast_in_dim3A_15 : f32 to vector<16xf32>
    %broadcast_in_dim3A_17 = arith.constant 8388607.5 : f32
    %broadcast_in_dim3A_18 = vector.broadcast %broadcast_in_dim3A_17 : f32 to vector<16xf32>
    %add3A_19 = arith.constant 0 : i32
    %add3A_20 = arith.addi %mul3A_2, %add3A_19 : i32
    %dma_start3A = arith.constant 0 : i32
    %dma_start3A_21 = tpu.memref_slice %arg2[%add3A_20, %dma_start3A] : memref<8192x4096xf32, #tpu.memory_space<hbm>> -> memref<8x4096xf32, #tpu.memory_space<hbm>>
    %dma_start3A_22 = arith.constant 0 : i32
    %dma_start3A_23 = tpu.memref_slice %arg2[%add3A_20, %dma_start3A_22] : memref<8192x4096xf32, #tpu.memory_space<hbm>> -> memref<8x4096xf32, #tpu.memory_space<hbm>>
    tpu.enqueue_dma source(%dma_start3A_23 : memref<8x4096xf32, #tpu.memory_space<hbm>>) target(%arg5 : memref<8x4096xf32, #tpu.memory_space<vmem>>) target_semaphore(%arg10 : memref<!tpu.dma_semaphore, #tpu.memory_space<semaphore_mem>>)
    %scan3A = arith.constant 0 : i32
    %scan3A_24 = arith.constant 0 : i32
    %scan3A_25 = arith.constant 16 : i32
    %scan3A_26 = arith.addi %scan3A_24, %scan3A_25 : i32
    %scan3A_27 = arith.constant 1 : i32
    %scan3A_28 = scf.for %scan3A_55 = %scan3A_24 to %scan3A_26 step %scan3A_27 iter_args(%scan3A_56 = %scan3A) -> (i32)  : i32 {
      %mul3A_57 = arith.constant 2 : i32
      %mul3A_58 = arith.muli %scan3A_55, %mul3A_57 : i32
      %add3A_59 = arith.constant 1 : i32
      %add3A_60 = arith.addi %mul3A_58, %add3A_59 : i32
      %mul3A_61 = arith.constant 8 : i32
      %mul3A_62 = arith.muli %add3A_60, %mul3A_61 : i32
      %add3A_63 = arith.addi %mul3A_2, %mul3A_62 : i32
      %dma_start3A_64 = arith.constant 0 : i32
      %dma_start3A_65 = tpu.memref_slice %arg2[%add3A_63, %dma_start3A_64] : memref<8192x4096xf32, #tpu.memory_space<hbm>> -> memref<8x4096xf32, #tpu.memory_space<hbm>>
      %dma_start3A_66 = arith.constant 0 : i32
      %dma_start3A_67 = tpu.memref_slice %arg2[%add3A_63, %dma_start3A_66] : memref<8192x4096xf32, #tpu.memory_space<hbm>> -> memref<8x4096xf32, #tpu.memory_space<hbm>>
      tpu.enqueue_dma source(%dma_start3A_67 : memref<8x4096xf32, #tpu.memory_space<hbm>>) target(%arg6 : memref<8x4096xf32, #tpu.memory_space<vmem>>) target_semaphore(%arg11 : memref<!tpu.dma_semaphore, #tpu.memory_space<semaphore_mem>>)
      %mul3A_68 = arith.constant 8 : i32
      %mul3A_69 = arith.muli %mul3A_58, %mul3A_68 : i32
      %add3A_70 = arith.addi %mul3A_2, %mul3A_69 : i32
      %dma_wait3A = arith.constant 0 : i32
      %dma_wait3A_71 = tpu.memref_slice %arg2[%add3A_70, %dma_wait3A] : memref<8192x4096xf32, #tpu.memory_space<hbm>> -> memref<8x4096xf32, #tpu.memory_space<hbm>>
      %dma_wait3A_72 = arith.constant 0 : i32
      %dma_wait3A_73 = tpu.memref_slice %arg2[%add3A_70, %dma_wait3A_72] : memref<8192x4096xf32, #tpu.memory_space<hbm>> -> memref<8x4096xf32, #tpu.memory_space<hbm>>
      tpu.wait_dma2 semaphore(%arg10 : memref<!tpu.dma_semaphore, #tpu.memory_space<semaphore_mem>>) src(%dma_wait3A_73 : memref<8x4096xf32, #tpu.memory_space<hbm>>) dst(%arg5 : memref<8x4096xf32, #tpu.memory_space<vmem>>)
      %parallel_loop3A_74 = arith.constant 0 : i32
      %parallel_loop3A_75 = arith.constant 64 : i32
      %parallel_loop3A_76 = arith.constant 1 : i32
      scf.for %parallel_loop3A_94 = %parallel_loop3A_74 to %parallel_loop3A_75 step %parallel_loop3A_76  : i32 {
        %parallel_loop3A_95 = arith.constant 64 : i32
        %parallel_loop3A_96 = arith.muli %parallel_loop3A_94, %parallel_loop3A_95 : i32
        %parallel_loop3A_97 = arith.constant 0 : i32
        %parallel_loop3A_98 = arith.addi %parallel_loop3A_96, %parallel_loop3A_97 : i32
        %parallel_loop3A_99 = arith.constant 0 : i32
        %parallel_loop3A_100 = arith.index_cast %parallel_loop3A_99 : i32 to index
        %parallel_loop3A_101 = arith.index_cast %parallel_loop3A_98 : i32 to index
        %parallel_loop3A_102 = tpu.vector_load %arg5[%parallel_loop3A_100, %parallel_loop3A_101] {strides = array<i32>} : memref<8x4096xf32, #tpu.memory_space<vmem>>, vector<16xf32>,
        %parallel_loop3A_103 = arith.constant 16 : i32
        %parallel_loop3A_104 = arith.addi %parallel_loop3A_96, %parallel_loop3A_103 : i32
        %parallel_loop3A_105 = arith.constant 0 : i32
        %parallel_loop3A_106 = arith.index_cast %parallel_loop3A_105 : i32 to index
        %parallel_loop3A_107 = arith.index_cast %parallel_loop3A_104 : i32 to index
        %parallel_loop3A_108 = tpu.vector_load %arg5[%parallel_loop3A_106, %parallel_loop3A_107] {strides = array<i32>} : memref<8x4096xf32, #tpu.memory_space<vmem>>, vector<16xf32>,
        %parallel_loop3A_109 = arith.constant 32 : i32
        %parallel_loop3A_110 = arith.addi %parallel_loop3A_96, %parallel_loop3A_109 : i32
        %parallel_loop3A_111 = arith.constant 0 : i32
        %parallel_loop3A_112 = arith.index_cast %parallel_loop3A_111 : i32 to index
        %parallel_loop3A_113 = arith.index_cast %parallel_loop3A_110 : i32 to index
        %parallel_loop3A_114 = tpu.vector_load %arg5[%parallel_loop3A_112, %parallel_loop3A_113] {strides = array<i32>} : memref<8x4096xf32, #tpu.memory_space<vmem>>, vector<16xf32>,
        %parallel_loop3A_115 = arith.constant 48 : i32
        %parallel_loop3A_116 = arith.addi %parallel_loop3A_96, %parallel_loop3A_115 : i32
        %parallel_loop3A_117 = arith.constant 0 : i32
        %parallel_loop3A_118 = arith.index_cast %parallel_loop3A_117 : i32 to index
        %parallel_loop3A_119 = arith.index_cast %parallel_loop3A_116 : i32 to index
        %parallel_loop3A_120 = tpu.vector_load %arg5[%parallel_loop3A_118, %parallel_loop3A_119] {strides = array<i32>} : memref<8x4096xf32, #tpu.memory_space<vmem>>, vector<16xf32>,
        %parallel_loop3A_121 = arith.constant 0 : i32
        %parallel_loop3A_122 = arith.addi %parallel_loop3A_96, %parallel_loop3A_121 : i32
        %parallel_loop3A_123 = arith.constant 1 : i32
        %parallel_loop3A_124 = arith.index_cast %parallel_loop3A_123 : i32 to index
        %parallel_loop3A_125 = arith.index_cast %parallel_loop3A_122 : i32 to index
        %parallel_loop3A_126 = tpu.vector_load %arg5[%parallel_loop3A_124, %parallel_loop3A_125] {strides = array<i32>} : memref<8x4096xf32, #tpu.memory_space<vmem>>, vector<16xf32>,
        %parallel_loop3A_127 = arith.constant 16 : i32
        %parallel_loop3A_128 = arith.addi %parallel_loop3A_96, %parallel_loop3A_127 : i32
        %parallel_loop3A_129 = arith.constant 1 : i32
        %parallel_loop3A_130 = arith.index_cast %parallel_loop3A_129 : i32 to index
        %parallel_loop3A_131 = arith.index_cast %parallel_loop3A_128 : i32 to index
        %parallel_loop3A_132 = tpu.vector_load %arg5[%parallel_loop3A_130, %parallel_loop3A_131] {strides = array<i32>} : memref<8x4096xf32, #tpu.memory_space<vmem>>, vector<16xf32>,
        %parallel_loop3A_133 = arith.constant 32 : i32
        %parallel_loop3A_134 = arith.addi %parallel_loop3A_96, %parallel_loop3A_133 : i32
        %parallel_loop3A_135 = arith.constant 1 : i32
        %parallel_loop3A_136 = arith.index_cast %parallel_loop3A_135 : i32 to index
        %parallel_loop3A_137 = arith.index_cast %parallel_loop3A_134 : i32 to index
        %parallel_loop3A_138 = tpu.vector_load %arg5[%parallel_loop3A_136, %parallel_loop3A_137] {strides = array<i32>} : memref<8x4096xf32, #tpu.memory_space<vmem>>, vector<16xf32>,
        %parallel_loop3A_139 = arith.constant 48 : i32
        %parallel_loop3A_140 = arith.addi %parallel_loop3A_96, %parallel_loop3A_139 : i32
        %parallel_loop3A_141 = arith.constant 1 : i32
        %parallel_loop3A_142 = arith.index_cast %parallel_loop3A_141 : i32 to index
        %parallel_loop3A_143 = arith.index_cast %parallel_loop3A_140 : i32 to index
        %parallel_loop3A_144 = tpu.vector_load %arg5[%parallel_loop3A_142, %parallel_loop3A_143] {strides = array<i32>} : memref<8x4096xf32, #tpu.memory_space<vmem>>, vector<16xf32>,
        %parallel_loop3A_145 = arith.constant 0 : i32
        %parallel_loop3A_146 = arith.addi %parallel_loop3A_96, %parallel_loop3A_145 : i32
        %parallel_loop3A_147 = arith.constant 2 : i32
        %parallel_loop3A_148 = arith.index_cast %parallel_loop3A_147 : i32 to index
        %parallel_loop3A_149 = arith.index_cast %parallel_loop3A_146 : i32 to index
        %parallel_loop3A_150 = tpu.vector_load %arg5[%parallel_loop3A_148, %parallel_loop3A_149] {strides = array<i32>} : memref<8x4096xf32, #tpu.memory_space<vmem>>, vector<16xf32>,
        %parallel_loop3A_151 = arith.constant 16 : i32
        %parallel_loop3A_152 = arith.addi %parallel_loop3A_96, %parallel_loop3A_151 : i32
        %parallel_loop3A_153 = arith.constant 2 : i32
        %parallel_loop3A_154 = arith.index_cast %parallel_loop3A_153 : i32 to index
        %parallel_loop3A_155 = arith.index_cast %parallel_loop3A_152 : i32 to index
        %parallel_loop3A_156 = tpu.vector_load %arg5[%parallel_loop3A_154, %parallel_loop3A_155] {strides = array<i32>} : memref<8x4096xf32, #tpu.memory_space<vmem>>, vector<16xf32>,
        %parallel_loop3A_157 = arith.constant 32 : i32
        %parallel_loop3A_158 = arith.addi %parallel_loop3A_96, %parallel_loop3A_157 : i32
        %parallel_loop3A_159 = arith.constant 2 : i32
        %parallel_loop3A_160 = arith.index_cast %parallel_loop3A_159 : i32 to index
        %parallel_loop3A_161 = arith.index_cast %parallel_loop3A_158 : i32 to index
        %parallel_loop3A_162 = tpu.vector_load %arg5[%parallel_loop3A_160, %parallel_loop3A_161] {strides = array<i32>} : memref<8x4096xf32, #tpu.memory_space<vmem>>, vector<16xf32>,
        %parallel_loop3A_163 = arith.constant 48 : i32
        %parallel_loop3A_164 = arith.addi %parallel_loop3A_96, %parallel_loop3A_163 : i32
        %parallel_loop3A_165 = arith.constant 2 : i32
        %parallel_loop3A_166 = arith.index_cast %parallel_loop3A_165 : i32 to index
        %parallel_loop3A_167 = arith.index_cast %parallel_loop3A_164 : i32 to index
        %parallel_loop3A_168 = tpu.vector_load %arg5[%parallel_loop3A_166, %parallel_loop3A_167] {strides = array<i32>} : memref<8x4096xf32, #tpu.memory_space<vmem>>, vector<16xf32>,
        %parallel_loop3A_169 = arith.constant 0 : i32
        %parallel_loop3A_170 = arith.addi %parallel_loop3A_96, %parallel_loop3A_169 : i32
        %parallel_loop3A_171 = arith.constant 3 : i32
        %parallel_loop3A_172 = arith.index_cast %parallel_loop3A_171 : i32 to index
        %parallel_loop3A_173 = arith.index_cast %parallel_loop3A_170 : i32 to index
        %parallel_loop3A_174 = tpu.vector_load %arg5[%parallel_loop3A_172, %parallel_loop3A_173] {strides = array<i32>} : memref<8x4096xf32, #tpu.memory_space<vmem>>, vector<16xf32>,
        %parallel_loop3A_175 = arith.constant 16 : i32
        %parallel_loop3A_176 = arith.addi %parallel_loop3A_96, %parallel_loop3A_175 : i32
        %parallel_loop3A_177 = arith.constant 3 : i32
        %parallel_loop3A_178 = arith.index_cast %parallel_loop3A_177 : i32 to index
        %parallel_loop3A_179 = arith.index_cast %parallel_loop3A_176 : i32 to index
        %parallel_loop3A_180 = tpu.vector_load %arg5[%parallel_loop3A_178, %parallel_loop3A_179] {strides = array<i32>} : memref<8x4096xf32, #tpu.memory_space<vmem>>, vector<16xf32>,
        %parallel_loop3A_181 = arith.constant 32 : i32
        %parallel_loop3A_182 = arith.addi %parallel_loop3A_96, %parallel_loop3A_181 : i32
        %parallel_loop3A_183 = arith.constant 3 : i32
        %parallel_loop3A_184 = arith.index_cast %parallel_loop3A_183 : i32 to index
        %parallel_loop3A_185 = arith.index_cast %parallel_loop3A_182 : i32 to index
        %parallel_loop3A_186 = tpu.vector_load %arg5[%parallel_loop3A_184, %parallel_loop3A_185] {strides = array<i32>} : memref<8x4096xf32, #tpu.memory_space<vmem>>, vector<16xf32>,
        %parallel_loop3A_187 = arith.constant 48 : i32
        %parallel_loop3A_188 = arith.addi %parallel_loop3A_96, %parallel_loop3A_187 : i32
        %parallel_loop3A_189 = arith.constant 3 : i32
        %parallel_loop3A_190 = arith.index_cast %parallel_loop3A_189 : i32 to index
        %parallel_loop3A_191 = arith.index_cast %parallel_loop3A_188 : i32 to index
        %parallel_loop3A_192 = tpu.vector_load %arg5[%parallel_loop3A_190, %parallel_loop3A_191] {strides = array<i32>} : memref<8x4096xf32, #tpu.memory_space<vmem>>, vector<16xf32>,
        %parallel_loop3A_193 = arith.constant 0 : i32
        %parallel_loop3A_194 = arith.addi %parallel_loop3A_96, %parallel_loop3A_193 : i32
        %parallel_loop3A_195 = arith.constant 4 : i32
        %parallel_loop3A_196 = arith.index_cast %parallel_loop3A_195 : i32 to index
        %parallel_loop3A_197 = arith.index_cast %parallel_loop3A_194 : i32 to index
        %parallel_loop3A_198 = tpu.vector_load %arg5[%parallel_loop3A_196, %parallel_loop3A_197] {strides = array<i32>} : memref<8x4096xf32, #tpu.memory_space<vmem>>, vector<16xf32>,
        %parallel_loop3A_199 = arith.constant 16 : i32
        %parallel_loop3A_200 = arith.addi %parallel_loop3A_96, %parallel_loop3A_199 : i32
        %parallel_loop3A_201 = arith.constant 4 : i32
        %parallel_loop3A_202 = arith.index_cast %parallel_loop3A_201 : i32 to index
        %parallel_loop3A_203 = arith.index_cast %parallel_loop3A_200 : i32 to index
        %parallel_loop3A_204 = tpu.vector_load %arg5[%parallel_loop3A_202, %parallel_loop3A_203] {strides = array<i32>} : memref<8x4096xf32, #tpu.memory_space<vmem>>, vector<16xf32>,
        %parallel_loop3A_205 = arith.constant 32 : i32
        %parallel_loop3A_206 = arith.addi %parallel_loop3A_96, %parallel_loop3A_205 : i32
        %parallel_loop3A_207 = arith.constant 4 : i32
        %parallel_loop3A_208 = arith.index_cast %parallel_loop3A_207 : i32 to index
        %parallel_loop3A_209 = arith.index_cast %parallel_loop3A_206 : i32 to index
        %parallel_loop3A_210 = tpu.vector_load %arg5[%parallel_loop3A_208, %parallel_loop3A_209] {strides = array<i32>} : memref<8x4096xf32, #tpu.memory_space<vmem>>, vector<16xf32>,
        %parallel_loop3A_211 = arith.constant 48 : i32
        %parallel_loop3A_212 = arith.addi %parallel_loop3A_96, %parallel_loop3A_211 : i32
        %parallel_loop3A_213 = arith.constant 4 : i32
        %parallel_loop3A_214 = arith.index_cast %parallel_loop3A_213 : i32 to index
        %parallel_loop3A_215 = arith.index_cast %parallel_loop3A_212 : i32 to index
        %parallel_loop3A_216 = tpu.vector_load %arg5[%parallel_loop3A_214, %parallel_loop3A_215] {strides = array<i32>} : memref<8x4096xf32, #tpu.memory_space<vmem>>, vector<16xf32>,
        %parallel_loop3A_217 = arith.constant 0 : i32
        %parallel_loop3A_218 = arith.addi %parallel_loop3A_96, %parallel_loop3A_217 : i32
        %parallel_loop3A_219 = arith.constant 5 : i32
        %parallel_loop3A_220 = arith.index_cast %parallel_loop3A_219 : i32 to index
        %parallel_loop3A_221 = arith.index_cast %parallel_loop3A_218 : i32 to index
        %parallel_loop3A_222 = tpu.vector_load %arg5[%parallel_loop3A_220, %parallel_loop3A_221] {strides = array<i32>} : memref<8x4096xf32, #tpu.memory_space<vmem>>, vector<16xf32>,
        %parallel_loop3A_223 = arith.constant 16 : i32
        %parallel_loop3A_224 = arith.addi %parallel_loop3A_96, %parallel_loop3A_223 : i32
        %parallel_loop3A_225 = arith.constant 5 : i32
        %parallel_loop3A_226 = arith.index_cast %parallel_loop3A_225 : i32 to index
        %parallel_loop3A_227 = arith.index_cast %parallel_loop3A_224 : i32 to index
        %parallel_loop3A_228 = tpu.vector_load %arg5[%parallel_loop3A_226, %parallel_loop3A_227] {strides = array<i32>} : memref<8x4096xf32, #tpu.memory_space<vmem>>, vector<16xf32>,
        %parallel_loop3A_229 = arith.constant 32 : i32
        %parallel_loop3A_230 = arith.addi %parallel_loop3A_96, %parallel_loop3A_229 : i32
        %parallel_loop3A_231 = arith.constant 5 : i32
        %parallel_loop3A_232 = arith.index_cast %parallel_loop3A_231 : i32 to index
        %parallel_loop3A_233 = arith.index_cast %parallel_loop3A_230 : i32 to index
        %parallel_loop3A_234 = tpu.vector_load %arg5[%parallel_loop3A_232, %parallel_loop3A_233] {strides = array<i32>} : memref<8x4096xf32, #tpu.memory_space<vmem>>, vector<16xf32>,
        %parallel_loop3A_235 = arith.constant 48 : i32
        %parallel_loop3A_236 = arith.addi %parallel_loop3A_96, %parallel_loop3A_235 : i32
        %parallel_loop3A_237 = arith.constant 5 : i32
        %parallel_loop3A_238 = arith.index_cast %parallel_loop3A_237 : i32 to index
        %parallel_loop3A_239 = arith.index_cast %parallel_loop3A_236 : i32 to index
        %parallel_loop3A_240 = tpu.vector_load %arg5[%parallel_loop3A_238, %parallel_loop3A_239] {strides = array<i32>} : memref<8x4096xf32, #tpu.memory_space<vmem>>, vector<16xf32>,
        %parallel_loop3A_241 = arith.constant 0 : i32
        %parallel_loop3A_242 = arith.addi %parallel_loop3A_96, %parallel_loop3A_241 : i32
        %parallel_loop3A_243 = arith.constant 6 : i32
        %parallel_loop3A_244 = arith.index_cast %parallel_loop3A_243 : i32 to index
        %parallel_loop3A_245 = arith.index_cast %parallel_loop3A_242 : i32 to index
        %parallel_loop3A_246 = tpu.vector_load %arg5[%parallel_loop3A_244, %parallel_loop3A_245] {strides = array<i32>} : memref<8x4096xf32, #tpu.memory_space<vmem>>, vector<16xf32>,
        %parallel_loop3A_247 = arith.constant 16 : i32
        %parallel_loop3A_248 = arith.addi %parallel_loop3A_96, %parallel_loop3A_247 : i32
        %parallel_loop3A_249 = arith.constant 6 : i32
        %parallel_loop3A_250 = arith.index_cast %parallel_loop3A_249 : i32 to index
        %parallel_loop3A_251 = arith.index_cast %parallel_loop3A_248 : i32 to index
        %parallel_loop3A_252 = tpu.vector_load %arg5[%parallel_loop3A_250, %parallel_loop3A_251] {strides = array<i32>} : memref<8x4096xf32, #tpu.memory_space<vmem>>, vector<16xf32>,
        %parallel_loop3A_253 = arith.constant 32 : i32
        %parallel_loop3A_254 = arith.addi %parallel_loop3A_96, %parallel_loop3A_253 : i32
        %parallel_loop3A_255 = arith.constant 6 : i32
        %parallel_loop3A_256 = arith.index_cast %parallel_loop3A_255 : i32 to index
        %parallel_loop3A_257 = arith.index_cast %parallel_loop3A_254 : i32 to index
        %parallel_loop3A_258 = tpu.vector_load %arg5[%parallel_loop3A_256, %parallel_loop3A_257] {strides = array<i32>} : memref<8x4096xf32, #tpu.memory_space<vmem>>, vector<16xf32>,
        %parallel_loop3A_259 = arith.constant 48 : i32
        %parallel_loop3A_260 = arith.addi %parallel_loop3A_96, %parallel_loop3A_259 : i32
        %parallel_loop3A_261 = arith.constant 6 : i32
        %parallel_loop3A_262 = arith.index_cast %parallel_loop3A_261 : i32 to index
        %parallel_loop3A_263 = arith.index_cast %parallel_loop3A_260 : i32 to index
        %parallel_loop3A_264 = tpu.vector_load %arg5[%parallel_loop3A_262, %parallel_loop3A_263] {strides = array<i32>} : memref<8x4096xf32, #tpu.memory_space<vmem>>, vector<16xf32>,
        %parallel_loop3A_265 = arith.constant 0 : i32
        %parallel_loop3A_266 = arith.addi %parallel_loop3A_96, %parallel_loop3A_265 : i32
        %parallel_loop3A_267 = arith.constant 7 : i32
        %parallel_loop3A_268 = arith.index_cast %parallel_loop3A_267 : i32 to index
        %parallel_loop3A_269 = arith.index_cast %parallel_loop3A_266 : i32 to index
        %parallel_loop3A_270 = tpu.vector_load %arg5[%parallel_loop3A_268, %parallel_loop3A_269] {strides = array<i32>} : memref<8x4096xf32, #tpu.memory_space<vmem>>, vector<16xf32>,
        %parallel_loop3A_271 = arith.constant 16 : i32
        %parallel_loop3A_272 = arith.addi %parallel_loop3A_96, %parallel_loop3A_271 : i32
        %parallel_loop3A_273 = arith.constant 7 : i32
        %parallel_loop3A_274 = arith.index_cast %parallel_loop3A_273 : i32 to index
        %parallel_loop3A_275 = arith.index_cast %parallel_loop3A_272 : i32 to index
        %parallel_loop3A_276 = tpu.vector_load %arg5[%parallel_loop3A_274, %parallel_loop3A_275] {strides = array<i32>} : memref<8x4096xf32, #tpu.memory_space<vmem>>, vector<16xf32>,
        %parallel_loop3A_277 = arith.constant 32 : i32
        %parallel_loop3A_278 = arith.addi %parallel_loop3A_96, %parallel_loop3A_277 : i32
        %parallel_loop3A_279 = arith.constant 7 : i32
        %parallel_loop3A_280 = arith.index_cast %parallel_loop3A_279 : i32 to index
        %parallel_loop3A_281 = arith.index_cast %parallel_loop3A_278 : i32 to index
        %parallel_loop3A_282 = tpu.vector_load %arg5[%parallel_loop3A_280, %parallel_loop3A_281] {strides = array<i32>} : memref<8x4096xf32, #tpu.memory_space<vmem>>, vector<16xf32>,
        %parallel_loop3A_283 = arith.constant 48 : i32
        %parallel_loop3A_284 = arith.addi %parallel_loop3A_96, %parallel_loop3A_283 : i32
        %parallel_loop3A_285 = arith.constant 7 : i32
        %parallel_loop3A_286 = arith.index_cast %parallel_loop3A_285 : i32 to index
        %parallel_loop3A_287 = arith.index_cast %parallel_loop3A_284 : i32 to index
        %parallel_loop3A_288 = tpu.vector_load %arg5[%parallel_loop3A_286, %parallel_loop3A_287] {strides = array<i32>} : memref<8x4096xf32, #tpu.memory_space<vmem>>, vector<16xf32>,
        %parallel_loop3A_289 = arith.mulf %parallel_loop3A_102, %get3A_3 : vector<16xf32>
        %parallel_loop3A_290 = math.absf %parallel_loop3A_289 : vector<16xf32>
        %parallel_loop3A_291 = arith.addf %parallel_loop3A_290, %broadcast_in_dim3A_18 : vector<16xf32>
        %parallel_loop3A_292 = arith.minimumf %parallel_loop3A_291, %broadcast_in_dim3A_16 : vector<16xf32>
        %parallel_loop3A_293 = arith.mulf %parallel_loop3A_108, %get3A_3 : vector<16xf32>
        %parallel_loop3A_294 = math.absf %parallel_loop3A_293 : vector<16xf32>
        %parallel_loop3A_295 = arith.addf %parallel_loop3A_294, %broadcast_in_dim3A_18 : vector<16xf32>
        %parallel_loop3A_296 = arith.minimumf %parallel_loop3A_295, %broadcast_in_dim3A_16 : vector<16xf32>
        %parallel_loop3A_297 = arith.mulf %parallel_loop3A_114, %get3A_3 : vector<16xf32>
        %parallel_loop3A_298 = math.absf %parallel_loop3A_297 : vector<16xf32>
        %parallel_loop3A_299 = arith.addf %parallel_loop3A_298, %broadcast_in_dim3A_18 : vector<16xf32>
        %parallel_loop3A_300 = arith.minimumf %parallel_loop3A_299, %broadcast_in_dim3A_16 : vector<16xf32>
        %parallel_loop3A_301 = arith.mulf %parallel_loop3A_120, %get3A_3 : vector<16xf32>
        %parallel_loop3A_302 = math.absf %parallel_loop3A_301 : vector<16xf32>
        %parallel_loop3A_303 = arith.addf %parallel_loop3A_302, %broadcast_in_dim3A_18 : vector<16xf32>
        %parallel_loop3A_304 = arith.minimumf %parallel_loop3A_303, %broadcast_in_dim3A_16 : vector<16xf32>
        %parallel_loop3A_305 = arith.mulf %parallel_loop3A_126, %get3A_3 : vector<16xf32>
        %parallel_loop3A_306 = math.absf %parallel_loop3A_305 : vector<16xf32>
        %parallel_loop3A_307 = arith.addf %parallel_loop3A_306, %broadcast_in_dim3A_18 : vector<16xf32>
        %parallel_loop3A_308 = arith.minimumf %parallel_loop3A_307, %broadcast_in_dim3A_16 : vector<16xf32>
        %parallel_loop3A_309 = arith.mulf %parallel_loop3A_132, %get3A_3 : vector<16xf32>
        %parallel_loop3A_310 = math.absf %parallel_loop3A_309 : vector<16xf32>
        %parallel_loop3A_311 = arith.addf %parallel_loop3A_310, %broadcast_in_dim3A_18 : vector<16xf32>
        %parallel_loop3A_312 = arith.minimumf %parallel_loop3A_311, %broadcast_in_dim3A_16 : vector<16xf32>
        %parallel_loop3A_313 = arith.mulf %parallel_loop3A_138, %get3A_3 : vector<16xf32>
        %parallel_loop3A_314 = math.absf %parallel_loop3A_313 : vector<16xf32>
        %parallel_loop3A_315 = arith.addf %parallel_loop3A_314, %broadcast_in_dim3A_18 : vector<16xf32>
        %parallel_loop3A_316 = arith.minimumf %parallel_loop3A_315, %broadcast_in_dim3A_16 : vector<16xf32>
        %parallel_loop3A_317 = arith.mulf %parallel_loop3A_144, %get3A_3 : vector<16xf32>
        %parallel_loop3A_318 = math.absf %parallel_loop3A_317 : vector<16xf32>
        %parallel_loop3A_319 = arith.addf %parallel_loop3A_318, %broadcast_in_dim3A_18 : vector<16xf32>
        %parallel_loop3A_320 = arith.minimumf %parallel_loop3A_319, %broadcast_in_dim3A_16 : vector<16xf32>
        %parallel_loop3A_321 = arith.mulf %parallel_loop3A_150, %get3A_3 : vector<16xf32>
        %parallel_loop3A_322 = math.absf %parallel_loop3A_321 : vector<16xf32>
        %parallel_loop3A_323 = arith.addf %parallel_loop3A_322, %broadcast_in_dim3A_18 : vector<16xf32>
        %parallel_loop3A_324 = arith.minimumf %parallel_loop3A_323, %broadcast_in_dim3A_16 : vector<16xf32>
        %parallel_loop3A_325 = arith.mulf %parallel_loop3A_156, %get3A_3 : vector<16xf32>
        %parallel_loop3A_326 = math.absf %parallel_loop3A_325 : vector<16xf32>
        %parallel_loop3A_327 = arith.addf %parallel_loop3A_326, %broadcast_in_dim3A_18 : vector<16xf32>
        %parallel_loop3A_328 = arith.minimumf %parallel_loop3A_327, %broadcast_in_dim3A_16 : vector<16xf32>
        %parallel_loop3A_329 = arith.mulf %parallel_loop3A_162, %get3A_3 : vector<16xf32>
        %parallel_loop3A_330 = math.absf %parallel_loop3A_329 : vector<16xf32>
        %parallel_loop3A_331 = arith.addf %parallel_loop3A_330, %broadcast_in_dim3A_18 : vector<16xf32>
        %parallel_loop3A_332 = arith.minimumf %parallel_loop3A_331, %broadcast_in_dim3A_16 : vector<16xf32>
        %parallel_loop3A_333 = arith.mulf %parallel_loop3A_168, %get3A_3 : vector<16xf32>
        %parallel_loop3A_334 = math.absf %parallel_loop3A_333 : vector<16xf32>
        %parallel_loop3A_335 = arith.addf %parallel_loop3A_334, %broadcast_in_dim3A_18 : vector<16xf32>
        %parallel_loop3A_336 = arith.minimumf %parallel_loop3A_335, %broadcast_in_dim3A_16 : vector<16xf32>
        %parallel_loop3A_337 = arith.mulf %parallel_loop3A_174, %get3A_3 : vector<16xf32>
        %parallel_loop3A_338 = math.absf %parallel_loop3A_337 : vector<16xf32>
        %parallel_loop3A_339 = arith.addf %parallel_loop3A_338, %broadcast_in_dim3A_18 : vector<16xf32>
        %parallel_loop3A_340 = arith.minimumf %parallel_loop3A_339, %broadcast_in_dim3A_16 : vector<16xf32>
        %parallel_loop3A_341 = arith.mulf %parallel_loop3A_180, %get3A_3 : vector<16xf32>
        %parallel_loop3A_342 = math.absf %parallel_loop3A_341 : vector<16xf32>
        %parallel_loop3A_343 = arith.addf %parallel_loop3A_342, %broadcast_in_dim3A_18 : vector<16xf32>
        %parallel_loop3A_344 = arith.minimumf %parallel_loop3A_343, %broadcast_in_dim3A_16 : vector<16xf32>
        %parallel_loop3A_345 = arith.mulf %parallel_loop3A_186, %get3A_3 : vector<16xf32>
        %parallel_loop3A_346 = math.absf %parallel_loop3A_345 : vector<16xf32>
        %parallel_loop3A_347 = arith.addf %parallel_loop3A_346, %broadcast_in_dim3A_18 : vector<16xf32>
        %parallel_loop3A_348 = arith.minimumf %parallel_loop3A_347, %broadcast_in_dim3A_16 : vector<16xf32>
        %parallel_loop3A_349 = arith.mulf %parallel_loop3A_192, %get3A_3 : vector<16xf32>
        %parallel_loop3A_350 = math.absf %parallel_loop3A_349 : vector<16xf32>
        %parallel_loop3A_351 = arith.addf %parallel_loop3A_350, %broadcast_in_dim3A_18 : vector<16xf32>
        %parallel_loop3A_352 = arith.minimumf %parallel_loop3A_351, %broadcast_in_dim3A_16 : vector<16xf32>
        %parallel_loop3A_353 = arith.mulf %parallel_loop3A_198, %get3A_3 : vector<16xf32>
        %parallel_loop3A_354 = math.absf %parallel_loop3A_353 : vector<16xf32>
        %parallel_loop3A_355 = arith.addf %parallel_loop3A_354, %broadcast_in_dim3A_18 : vector<16xf32>
        %parallel_loop3A_356 = arith.minimumf %parallel_loop3A_355, %broadcast_in_dim3A_16 : vector<16xf32>
        %parallel_loop3A_357 = arith.mulf %parallel_loop3A_204, %get3A_3 : vector<16xf32>
        %parallel_loop3A_358 = math.absf %parallel_loop3A_357 : vector<16xf32>
        %parallel_loop3A_359 = arith.addf %parallel_loop3A_358, %broadcast_in_dim3A_18 : vector<16xf32>
        %parallel_loop3A_360 = arith.minimumf %parallel_loop3A_359, %broadcast_in_dim3A_16 : vector<16xf32>
        %parallel_loop3A_361 = arith.mulf %parallel_loop3A_210, %get3A_3 : vector<16xf32>
        %parallel_loop3A_362 = math.absf %parallel_loop3A_361 : vector<16xf32>
        %parallel_loop3A_363 = arith.addf %parallel_loop3A_362, %broadcast_in_dim3A_18 : vector<16xf32>
        %parallel_loop3A_364 = arith.minimumf %parallel_loop3A_363, %broadcast_in_dim3A_16 : vector<16xf32>
        %parallel_loop3A_365 = arith.mulf %parallel_loop3A_216, %get3A_3 : vector<16xf32>
        %parallel_loop3A_366 = math.absf %parallel_loop3A_365 : vector<16xf32>
        %parallel_loop3A_367 = arith.addf %parallel_loop3A_366, %broadcast_in_dim3A_18 : vector<16xf32>
        %parallel_loop3A_368 = arith.minimumf %parallel_loop3A_367, %broadcast_in_dim3A_16 : vector<16xf32>
        %parallel_loop3A_369 = arith.mulf %parallel_loop3A_222, %get3A_3 : vector<16xf32>
        %parallel_loop3A_370 = math.absf %parallel_loop3A_369 : vector<16xf32>
        %parallel_loop3A_371 = arith.addf %parallel_loop3A_370, %broadcast_in_dim3A_18 : vector<16xf32>
        %parallel_loop3A_372 = arith.minimumf %parallel_loop3A_371, %broadcast_in_dim3A_16 : vector<16xf32>
        %parallel_loop3A_373 = arith.mulf %parallel_loop3A_228, %get3A_3 : vector<16xf32>
        %parallel_loop3A_374 = math.absf %parallel_loop3A_373 : vector<16xf32>
        %parallel_loop3A_375 = arith.addf %parallel_loop3A_374, %broadcast_in_dim3A_18 : vector<16xf32>
        %parallel_loop3A_376 = arith.minimumf %parallel_loop3A_375, %broadcast_in_dim3A_16 : vector<16xf32>
        %parallel_loop3A_377 = arith.mulf %parallel_loop3A_234, %get3A_3 : vector<16xf32>
        %parallel_loop3A_378 = math.absf %parallel_loop3A_377 : vector<16xf32>
        %parallel_loop3A_379 = arith.addf %parallel_loop3A_378, %broadcast_in_dim3A_18 : vector<16xf32>
        %parallel_loop3A_380 = arith.minimumf %parallel_loop3A_379, %broadcast_in_dim3A_16 : vector<16xf32>
        %parallel_loop3A_381 = arith.mulf %parallel_loop3A_240, %get3A_3 : vector<16xf32>
        %parallel_loop3A_382 = math.absf %parallel_loop3A_381 : vector<16xf32>
        %parallel_loop3A_383 = arith.addf %parallel_loop3A_382, %broadcast_in_dim3A_18 : vector<16xf32>
        %parallel_loop3A_384 = arith.minimumf %parallel_loop3A_383, %broadcast_in_dim3A_16 : vector<16xf32>
        %parallel_loop3A_385 = arith.mulf %parallel_loop3A_246, %get3A_3 : vector<16xf32>
        %parallel_loop3A_386 = math.absf %parallel_loop3A_385 : vector<16xf32>
        %parallel_loop3A_387 = arith.addf %parallel_loop3A_386, %broadcast_in_dim3A_18 : vector<16xf32>
        %parallel_loop3A_388 = arith.minimumf %parallel_loop3A_387, %broadcast_in_dim3A_16 : vector<16xf32>
        %parallel_loop3A_389 = arith.mulf %parallel_loop3A_252, %get3A_3 : vector<16xf32>
        %parallel_loop3A_390 = math.absf %parallel_loop3A_389 : vector<16xf32>
        %parallel_loop3A_391 = arith.addf %parallel_loop3A_390, %broadcast_in_dim3A_18 : vector<16xf32>
        %parallel_loop3A_392 = arith.minimumf %parallel_loop3A_391, %broadcast_in_dim3A_16 : vector<16xf32>
        %parallel_loop3A_393 = arith.mulf %parallel_loop3A_258, %get3A_3 : vector<16xf32>
        %parallel_loop3A_394 = math.absf %parallel_loop3A_393 : vector<16xf32>
        %parallel_loop3A_395 = arith.addf %parallel_loop3A_394, %broadcast_in_dim3A_18 : vector<16xf32>
        %parallel_loop3A_396 = arith.minimumf %parallel_loop3A_395, %broadcast_in_dim3A_16 : vector<16xf32>
        %parallel_loop3A_397 = arith.mulf %parallel_loop3A_264, %get3A_3 : vector<16xf32>
        %parallel_loop3A_398 = math.absf %parallel_loop3A_397 : vector<16xf32>
        %parallel_loop3A_399 = arith.addf %parallel_loop3A_398, %broadcast_in_dim3A_18 : vector<16xf32>
        %parallel_loop3A_400 = arith.minimumf %parallel_loop3A_399, %broadcast_in_dim3A_16 : vector<16xf32>
        %parallel_loop3A_401 = arith.mulf %parallel_loop3A_270, %get3A_3 : vector<16xf32>
        %parallel_loop3A_402 = math.absf %parallel_loop3A_401 : vector<16xf32>
        %parallel_loop3A_403 = arith.addf %parallel_loop3A_402, %broadcast_in_dim3A_18 : vector<16xf32>
        %parallel_loop3A_404 = arith.minimumf %parallel_loop3A_403, %broadcast_in_dim3A_16 : vector<16xf32>
        %parallel_loop3A_405 = arith.mulf %parallel_loop3A_276, %get3A_3 : vector<16xf32>
        %parallel_loop3A_406 = math.absf %parallel_loop3A_405 : vector<16xf32>
        %parallel_loop3A_407 = arith.addf %parallel_loop3A_406, %broadcast_in_dim3A_18 : vector<16xf32>
        %parallel_loop3A_408 = arith.minimumf %parallel_loop3A_407, %broadcast_in_dim3A_16 : vector<16xf32>
        %parallel_loop3A_409 = arith.mulf %parallel_loop3A_282, %get3A_3 : vector<16xf32>
        %parallel_loop3A_410 = math.absf %parallel_loop3A_409 : vector<16xf32>
        %parallel_loop3A_411 = arith.addf %parallel_loop3A_410, %broadcast_in_dim3A_18 : vector<16xf32>
        %parallel_loop3A_412 = arith.minimumf %parallel_loop3A_411, %broadcast_in_dim3A_16 : vector<16xf32>
        %parallel_loop3A_413 = arith.mulf %parallel_loop3A_288, %get3A_3 : vector<16xf32>
        %parallel_loop3A_414 = math.absf %parallel_loop3A_413 : vector<16xf32>
        %parallel_loop3A_415 = arith.addf %parallel_loop3A_414, %broadcast_in_dim3A_18 : vector<16xf32>
        %parallel_loop3A_416 = arith.minimumf %parallel_loop3A_415, %broadcast_in_dim3A_16 : vector<16xf32>
        %parallel_loop3A_417 = vector.bitcast %parallel_loop3A_292 : vector<16xf32> to vector<16xi32>
        %parallel_loop3A_418 = arith.addi %parallel_loop3A_417, %add3A_12 : vector<16xi32>
        %parallel_loop3A_419 = vector.bitcast %parallel_loop3A_296 : vector<16xf32> to vector<16xi32>
        %parallel_loop3A_420 = arith.addi %parallel_loop3A_419, %add3A_12 : vector<16xi32>
        %parallel_loop3A_421 = vector.bitcast %parallel_loop3A_300 : vector<16xf32> to vector<16xi32>
        %parallel_loop3A_422 = arith.addi %parallel_loop3A_421, %add3A_12 : vector<16xi32>
        %parallel_loop3A_423 = vector.bitcast %parallel_loop3A_304 : vector<16xf32> to vector<16xi32>
        %parallel_loop3A_424 = arith.addi %parallel_loop3A_423, %add3A_12 : vector<16xi32>
        %parallel_loop3A_425 = vector.bitcast %parallel_loop3A_308 : vector<16xf32> to vector<16xi32>
        %parallel_loop3A_426 = arith.addi %parallel_loop3A_425, %add3A_12 : vector<16xi32>
        %parallel_loop3A_427 = vector.bitcast %parallel_loop3A_312 : vector<16xf32> to vector<16xi32>
        %parallel_loop3A_428 = arith.addi %parallel_loop3A_427, %add3A_12 : vector<16xi32>
        %parallel_loop3A_429 = vector.bitcast %parallel_loop3A_316 : vector<16xf32> to vector<16xi32>
        %parallel_loop3A_430 = arith.addi %parallel_loop3A_429, %add3A_12 : vector<16xi32>
        %parallel_loop3A_431 = vector.bitcast %parallel_loop3A_320 : vector<16xf32> to vector<16xi32>
        %parallel_loop3A_432 = arith.addi %parallel_loop3A_431, %add3A_12 : vector<16xi32>
        %parallel_loop3A_433 = vector.bitcast %parallel_loop3A_324 : vector<16xf32> to vector<16xi32>
        %parallel_loop3A_434 = arith.addi %parallel_loop3A_433, %add3A_12 : vector<16xi32>
        %parallel_loop3A_435 = vector.bitcast %parallel_loop3A_328 : vector<16xf32> to vector<16xi32>
        %parallel_loop3A_436 = arith.addi %parallel_loop3A_435, %add3A_12 : vector<16xi32>
        %parallel_loop3A_437 = vector.bitcast %parallel_loop3A_332 : vector<16xf32> to vector<16xi32>
        %parallel_loop3A_438 = arith.addi %parallel_loop3A_437, %add3A_12 : vector<16xi32>
        %parallel_loop3A_439 = vector.bitcast %parallel_loop3A_336 : vector<16xf32> to vector<16xi32>
        %parallel_loop3A_440 = arith.addi %parallel_loop3A_439, %add3A_12 : vector<16xi32>
        %parallel_loop3A_441 = vector.bitcast %parallel_loop3A_340 : vector<16xf32> to vector<16xi32>
        %parallel_loop3A_442 = arith.addi %parallel_loop3A_441, %add3A_12 : vector<16xi32>
        %parallel_loop3A_443 = vector.bitcast %parallel_loop3A_344 : vector<16xf32> to vector<16xi32>
        %parallel_loop3A_444 = arith.addi %parallel_loop3A_443, %add3A_12 : vector<16xi32>
        %parallel_loop3A_445 = vector.bitcast %parallel_loop3A_348 : vector<16xf32> to vector<16xi32>
        %parallel_loop3A_446 = arith.addi %parallel_loop3A_445, %add3A_12 : vector<16xi32>
        %parallel_loop3A_447 = vector.bitcast %parallel_loop3A_352 : vector<16xf32> to vector<16xi32>
        %parallel_loop3A_448 = arith.addi %parallel_loop3A_447, %add3A_12 : vector<16xi32>
        %parallel_loop3A_449 = vector.bitcast %parallel_loop3A_356 : vector<16xf32> to vector<16xi32>
        %parallel_loop3A_450 = arith.addi %parallel_loop3A_449, %add3A_12 : vector<16xi32>
        %parallel_loop3A_451 = vector.bitcast %parallel_loop3A_360 : vector<16xf32> to vector<16xi32>
        %parallel_loop3A_452 = arith.addi %parallel_loop3A_451, %add3A_12 : vector<16xi32>
        %parallel_loop3A_453 = vector.bitcast %parallel_loop3A_364 : vector<16xf32> to vector<16xi32>
        %parallel_loop3A_454 = arith.addi %parallel_loop3A_453, %add3A_12 : vector<16xi32>
        %parallel_loop3A_455 = vector.bitcast %parallel_loop3A_368 : vector<16xf32> to vector<16xi32>
        %parallel_loop3A_456 = arith.addi %parallel_loop3A_455, %add3A_12 : vector<16xi32>
        %parallel_loop3A_457 = vector.bitcast %parallel_loop3A_372 : vector<16xf32> to vector<16xi32>
        %parallel_loop3A_458 = arith.addi %parallel_loop3A_457, %add3A_12 : vector<16xi32>
        %parallel_loop3A_459 = vector.bitcast %parallel_loop3A_376 : vector<16xf32> to vector<16xi32>
        %parallel_loop3A_460 = arith.addi %parallel_loop3A_459, %add3A_12 : vector<16xi32>
        %parallel_loop3A_461 = vector.bitcast %parallel_loop3A_380 : vector<16xf32> to vector<16xi32>
        %parallel_loop3A_462 = arith.addi %parallel_loop3A_461, %add3A_12 : vector<16xi32>
        %parallel_loop3A_463 = vector.bitcast %parallel_loop3A_384 : vector<16xf32> to vector<16xi32>
        %parallel_loop3A_464 = arith.addi %parallel_loop3A_463, %add3A_12 : vector<16xi32>
        %parallel_loop3A_465 = vector.bitcast %parallel_loop3A_388 : vector<16xf32> to vector<16xi32>
        %parallel_loop3A_466 = arith.addi %parallel_loop3A_465, %add3A_12 : vector<16xi32>
        %parallel_loop3A_467 = vector.bitcast %parallel_loop3A_392 : vector<16xf32> to vector<16xi32>
        %parallel_loop3A_468 = arith.addi %parallel_loop3A_467, %add3A_12 : vector<16xi32>
        %parallel_loop3A_469 = vector.bitcast %parallel_loop3A_396 : vector<16xf32> to vector<16xi32>
        %parallel_loop3A_470 = arith.addi %parallel_loop3A_469, %add3A_12 : vector<16xi32>
        %parallel_loop3A_471 = vector.bitcast %parallel_loop3A_400 : vector<16xf32> to vector<16xi32>
        %parallel_loop3A_472 = arith.addi %parallel_loop3A_471, %add3A_12 : vector<16xi32>
        %parallel_loop3A_473 = vector.bitcast %parallel_loop3A_404 : vector<16xf32> to vector<16xi32>
        %parallel_loop3A_474 = arith.addi %parallel_loop3A_473, %add3A_12 : vector<16xi32>
        %parallel_loop3A_475 = vector.bitcast %parallel_loop3A_408 : vector<16xf32> to vector<16xi32>
        %parallel_loop3A_476 = arith.addi %parallel_loop3A_475, %add3A_12 : vector<16xi32>
        %parallel_loop3A_477 = vector.bitcast %parallel_loop3A_412 : vector<16xf32> to vector<16xi32>
        %parallel_loop3A_478 = arith.addi %parallel_loop3A_477, %add3A_12 : vector<16xi32>
        %parallel_loop3A_479 = vector.bitcast %parallel_loop3A_416 : vector<16xf32> to vector<16xi32>
        %parallel_loop3A_480 = arith.addi %parallel_loop3A_479, %add3A_12 : vector<16xi32>
        tpu.vector_store_idx %arg7[%parallel_loop3A_418], %broadcast_in_dim3A_14 {add = true} : memref<33024xf32, #tpu.memory_space<vmem>>[vector<16xi32>], vector<16xf32>,
        tpu.vector_store_idx %arg7[%parallel_loop3A_420], %broadcast_in_dim3A_14 {add = true} : memref<33024xf32, #tpu.memory_space<vmem>>[vector<16xi32>], vector<16xf32>,
        tpu.vector_store_idx %arg7[%parallel_loop3A_422], %broadcast_in_dim3A_14 {add = true} : memref<33024xf32, #tpu.memory_space<vmem>>[vector<16xi32>], vector<16xf32>,
        tpu.vector_store_idx %arg7[%parallel_loop3A_424], %broadcast_in_dim3A_14 {add = true} : memref<33024xf32, #tpu.memory_space<vmem>>[vector<16xi32>], vector<16xf32>,
        tpu.vector_store_idx %arg7[%parallel_loop3A_426], %broadcast_in_dim3A_14 {add = true} : memref<33024xf32, #tpu.memory_space<vmem>>[vector<16xi32>], vector<16xf32>,
        tpu.vector_store_idx %arg7[%parallel_loop3A_428], %broadcast_in_dim3A_14 {add = true} : memref<33024xf32, #tpu.memory_space<vmem>>[vector<16xi32>], vector<16xf32>,
        tpu.vector_store_idx %arg7[%parallel_loop3A_430], %broadcast_in_dim3A_14 {add = true} : memref<33024xf32, #tpu.memory_space<vmem>>[vector<16xi32>], vector<16xf32>,
        tpu.vector_store_idx %arg7[%parallel_loop3A_432], %broadcast_in_dim3A_14 {add = true} : memref<33024xf32, #tpu.memory_space<vmem>>[vector<16xi32>], vector<16xf32>,
        tpu.vector_store_idx %arg7[%parallel_loop3A_434], %broadcast_in_dim3A_14 {add = true} : memref<33024xf32, #tpu.memory_space<vmem>>[vector<16xi32>], vector<16xf32>,
        tpu.vector_store_idx %arg7[%parallel_loop3A_436], %broadcast_in_dim3A_14 {add = true} : memref<33024xf32, #tpu.memory_space<vmem>>[vector<16xi32>], vector<16xf32>,
        tpu.vector_store_idx %arg7[%parallel_loop3A_438], %broadcast_in_dim3A_14 {add = true} : memref<33024xf32, #tpu.memory_space<vmem>>[vector<16xi32>], vector<16xf32>,
        tpu.vector_store_idx %arg7[%parallel_loop3A_440], %broadcast_in_dim3A_14 {add = true} : memref<33024xf32, #tpu.memory_space<vmem>>[vector<16xi32>], vector<16xf32>,
        tpu.vector_store_idx %arg7[%parallel_loop3A_442], %broadcast_in_dim3A_14 {add = true} : memref<33024xf32, #tpu.memory_space<vmem>>[vector<16xi32>], vector<16xf32>,
        tpu.vector_store_idx %arg7[%parallel_loop3A_444], %broadcast_in_dim3A_14 {add = true} : memref<33024xf32, #tpu.memory_space<vmem>>[vector<16xi32>], vector<16xf32>,
        tpu.vector_store_idx %arg7[%parallel_loop3A_446], %broadcast_in_dim3A_14 {add = true} : memref<33024xf32, #tpu.memory_space<vmem>>[vector<16xi32>], vector<16xf32>,
        tpu.vector_store_idx %arg7[%parallel_loop3A_448], %broadcast_in_dim3A_14 {add = true} : memref<33024xf32, #tpu.memory_space<vmem>>[vector<16xi32>], vector<16xf32>,
        tpu.vector_store_idx %arg7[%parallel_loop3A_450], %broadcast_in_dim3A_14 {add = true} : memref<33024xf32, #tpu.memory_space<vmem>>[vector<16xi32>], vector<16xf32>,
        tpu.vector_store_idx %arg7[%parallel_loop3A_452], %broadcast_in_dim3A_14 {add = true} : memref<33024xf32, #tpu.memory_space<vmem>>[vector<16xi32>], vector<16xf32>,
        tpu.vector_store_idx %arg7[%parallel_loop3A_454], %broadcast_in_dim3A_14 {add = true} : memref<33024xf32, #tpu.memory_space<vmem>>[vector<16xi32>], vector<16xf32>,
        tpu.vector_store_idx %arg7[%parallel_loop3A_456], %broadcast_in_dim3A_14 {add = true} : memref<33024xf32, #tpu.memory_space<vmem>>[vector<16xi32>], vector<16xf32>,
        tpu.vector_store_idx %arg7[%parallel_loop3A_458], %broadcast_in_dim3A_14 {add = true} : memref<33024xf32, #tpu.memory_space<vmem>>[vector<16xi32>], vector<16xf32>,
        tpu.vector_store_idx %arg7[%parallel_loop3A_460], %broadcast_in_dim3A_14 {add = true} : memref<33024xf32, #tpu.memory_space<vmem>>[vector<16xi32>], vector<16xf32>,
        tpu.vector_store_idx %arg7[%parallel_loop3A_462], %broadcast_in_dim3A_14 {add = true} : memref<33024xf32, #tpu.memory_space<vmem>>[vector<16xi32>], vector<16xf32>,
        tpu.vector_store_idx %arg7[%parallel_loop3A_464], %broadcast_in_dim3A_14 {add = true} : memref<33024xf32, #tpu.memory_space<vmem>>[vector<16xi32>], vector<16xf32>,
        tpu.vector_store_idx %arg7[%parallel_loop3A_466], %broadcast_in_dim3A_14 {add = true} : memref<33024xf32, #tpu.memory_space<vmem>>[vector<16xi32>], vector<16xf32>,
        tpu.vector_store_idx %arg7[%parallel_loop3A_468], %broadcast_in_dim3A_14 {add = true} : memref<33024xf32, #tpu.memory_space<vmem>>[vector<16xi32>], vector<16xf32>,
        tpu.vector_store_idx %arg7[%parallel_loop3A_470], %broadcast_in_dim3A_14 {add = true} : memref<33024xf32, #tpu.memory_space<vmem>>[vector<16xi32>], vector<16xf32>,
        tpu.vector_store_idx %arg7[%parallel_loop3A_472], %broadcast_in_dim3A_14 {add = true} : memref<33024xf32, #tpu.memory_space<vmem>>[vector<16xi32>], vector<16xf32>,
        tpu.vector_store_idx %arg7[%parallel_loop3A_474], %broadcast_in_dim3A_14 {add = true} : memref<33024xf32, #tpu.memory_space<vmem>>[vector<16xi32>], vector<16xf32>,
        tpu.vector_store_idx %arg7[%parallel_loop3A_476], %broadcast_in_dim3A_14 {add = true} : memref<33024xf32, #tpu.memory_space<vmem>>[vector<16xi32>], vector<16xf32>,
        tpu.vector_store_idx %arg7[%parallel_loop3A_478], %broadcast_in_dim3A_14 {add = true} : memref<33024xf32, #tpu.memory_space<vmem>>[vector<16xi32>], vector<16xf32>,
        tpu.vector_store_idx %arg7[%parallel_loop3A_480], %broadcast_in_dim3A_14 {add = true} : memref<33024xf32, #tpu.memory_space<vmem>>[vector<16xi32>], vector<16xf32>,
      } {sc.loop_unroll_factor = 1 : i64, sc.parallel_access}
      %add3A_77 = arith.constant 2 : i32
      %add3A_78 = arith.addi %mul3A_58, %add3A_77 : i32
      %lt3A = arith.constant 32 : i32
      %lt3A_79 = arith.cmpi slt, %add3A_78, %lt3A : i32
      %convert_element_type3A = arith.extui %lt3A_79 : i1 to i32
      %cond3A = arith.constant 0 : i32
      %cond3A_80 = arith.cmpi ne, %convert_element_type3A, %cond3A : i32
      scf.if %cond3A_80 {
        %add3A_94 = arith.constant 2 : i32
        %add3A_95 = arith.addi %mul3A_58, %add3A_94 : i32
        %mul3A_96 = arith.constant 8 : i32
        %mul3A_97 = arith.muli %add3A_95, %mul3A_96 : i32
        %add3A_98 = arith.addi %mul3A_2, %mul3A_97 : i32
        %dma_start3A_99 = arith.constant 0 : i32
        %dma_start3A_100 = tpu.memref_slice %arg2[%add3A_98, %dma_start3A_99] : memref<8192x4096xf32, #tpu.memory_space<hbm>> -> memref<8x4096xf32, #tpu.memory_space<hbm>>
        %dma_start3A_101 = arith.constant 0 : i32
        %dma_start3A_102 = tpu.memref_slice %arg2[%add3A_98, %dma_start3A_101] : memref<8192x4096xf32, #tpu.memory_space<hbm>> -> memref<8x4096xf32, #tpu.memory_space<hbm>>
        tpu.enqueue_dma source(%dma_start3A_102 : memref<8x4096xf32, #tpu.memory_space<hbm>>) target(%arg5 : memref<8x4096xf32, #tpu.memory_space<vmem>>) target_semaphore(%arg10 : memref<!tpu.dma_semaphore, #tpu.memory_space<semaphore_mem>>)
      } else {
      }
      %add3A_81 = arith.constant 1 : i32
      %add3A_82 = arith.addi %mul3A_58, %add3A_81 : i32
      %mul3A_83 = arith.constant 8 : i32
      %mul3A_84 = arith.muli %add3A_82, %mul3A_83 : i32
      %add3A_85 = arith.addi %mul3A_2, %mul3A_84 : i32
      %dma_wait3A_86 = arith.constant 0 : i32
      %dma_wait3A_87 = tpu.memref_slice %arg2[%add3A_85, %dma_wait3A_86] : memref<8192x4096xf32, #tpu.memory_space<hbm>> -> memref<8x4096xf32, #tpu.memory_space<hbm>>
      %dma_wait3A_88 = arith.constant 0 : i32
      %dma_wait3A_89 = tpu.memref_slice %arg2[%add3A_85, %dma_wait3A_88] : memref<8192x4096xf32, #tpu.memory_space<hbm>> -> memref<8x4096xf32, #tpu.memory_space<hbm>>
      tpu.wait_dma2 semaphore(%arg11 : memref<!tpu.dma_semaphore, #tpu.memory_space<semaphore_mem>>) src(%dma_wait3A_89 : memref<8x4096xf32, #tpu.memory_space<hbm>>) dst(%arg6 : memref<8x4096xf32, #tpu.memory_space<vmem>>)
      %parallel_loop3A_90 = arith.constant 0 : i32
      %parallel_loop3A_91 = arith.constant 64 : i32
      %parallel_loop3A_92 = arith.constant 1 : i32
      scf.for %parallel_loop3A_94 = %parallel_loop3A_90 to %parallel_loop3A_91 step %parallel_loop3A_92  : i32 {
        %parallel_loop3A_95 = arith.constant 64 : i32
        %parallel_loop3A_96 = arith.muli %parallel_loop3A_94, %parallel_loop3A_95 : i32
        %parallel_loop3A_97 = arith.constant 0 : i32
        %parallel_loop3A_98 = arith.addi %parallel_loop3A_96, %parallel_loop3A_97 : i32
        %parallel_loop3A_99 = arith.constant 0 : i32
        %parallel_loop3A_100 = arith.index_cast %parallel_loop3A_99 : i32 to index
        %parallel_loop3A_101 = arith.index_cast %parallel_loop3A_98 : i32 to index
        %parallel_loop3A_102 = tpu.vector_load %arg6[%parallel_loop3A_100, %parallel_loop3A_101] {strides = array<i32>} : memref<8x4096xf32, #tpu.memory_space<vmem>>, vector<16xf32>,
        %parallel_loop3A_103 = arith.constant 16 : i32
        %parallel_loop3A_104 = arith.addi %parallel_loop3A_96, %parallel_loop3A_103 : i32
        %parallel_loop3A_105 = arith.constant 0 : i32
        %parallel_loop3A_106 = arith.index_cast %parallel_loop3A_105 : i32 to index
        %parallel_loop3A_107 = arith.index_cast %parallel_loop3A_104 : i32 to index
        %parallel_loop3A_108 = tpu.vector_load %arg6[%parallel_loop3A_106, %parallel_loop3A_107] {strides = array<i32>} : memref<8x4096xf32, #tpu.memory_space<vmem>>, vector<16xf32>,
        %parallel_loop3A_109 = arith.constant 32 : i32
        %parallel_loop3A_110 = arith.addi %parallel_loop3A_96, %parallel_loop3A_109 : i32
        %parallel_loop3A_111 = arith.constant 0 : i32
        %parallel_loop3A_112 = arith.index_cast %parallel_loop3A_111 : i32 to index
        %parallel_loop3A_113 = arith.index_cast %parallel_loop3A_110 : i32 to index
        %parallel_loop3A_114 = tpu.vector_load %arg6[%parallel_loop3A_112, %parallel_loop3A_113] {strides = array<i32>} : memref<8x4096xf32, #tpu.memory_space<vmem>>, vector<16xf32>,
        %parallel_loop3A_115 = arith.constant 48 : i32
        %parallel_loop3A_116 = arith.addi %parallel_loop3A_96, %parallel_loop3A_115 : i32
        %parallel_loop3A_117 = arith.constant 0 : i32
        %parallel_loop3A_118 = arith.index_cast %parallel_loop3A_117 : i32 to index
        %parallel_loop3A_119 = arith.index_cast %parallel_loop3A_116 : i32 to index
        %parallel_loop3A_120 = tpu.vector_load %arg6[%parallel_loop3A_118, %parallel_loop3A_119] {strides = array<i32>} : memref<8x4096xf32, #tpu.memory_space<vmem>>, vector<16xf32>,
        %parallel_loop3A_121 = arith.constant 0 : i32
        %parallel_loop3A_122 = arith.addi %parallel_loop3A_96, %parallel_loop3A_121 : i32
        %parallel_loop3A_123 = arith.constant 1 : i32
        %parallel_loop3A_124 = arith.index_cast %parallel_loop3A_123 : i32 to index
        %parallel_loop3A_125 = arith.index_cast %parallel_loop3A_122 : i32 to index
        %parallel_loop3A_126 = tpu.vector_load %arg6[%parallel_loop3A_124, %parallel_loop3A_125] {strides = array<i32>} : memref<8x4096xf32, #tpu.memory_space<vmem>>, vector<16xf32>,
        %parallel_loop3A_127 = arith.constant 16 : i32
        %parallel_loop3A_128 = arith.addi %parallel_loop3A_96, %parallel_loop3A_127 : i32
        %parallel_loop3A_129 = arith.constant 1 : i32
        %parallel_loop3A_130 = arith.index_cast %parallel_loop3A_129 : i32 to index
        %parallel_loop3A_131 = arith.index_cast %parallel_loop3A_128 : i32 to index
        %parallel_loop3A_132 = tpu.vector_load %arg6[%parallel_loop3A_130, %parallel_loop3A_131] {strides = array<i32>} : memref<8x4096xf32, #tpu.memory_space<vmem>>, vector<16xf32>,
        %parallel_loop3A_133 = arith.constant 32 : i32
        %parallel_loop3A_134 = arith.addi %parallel_loop3A_96, %parallel_loop3A_133 : i32
        %parallel_loop3A_135 = arith.constant 1 : i32
        %parallel_loop3A_136 = arith.index_cast %parallel_loop3A_135 : i32 to index
        %parallel_loop3A_137 = arith.index_cast %parallel_loop3A_134 : i32 to index
        %parallel_loop3A_138 = tpu.vector_load %arg6[%parallel_loop3A_136, %parallel_loop3A_137] {strides = array<i32>} : memref<8x4096xf32, #tpu.memory_space<vmem>>, vector<16xf32>,
        %parallel_loop3A_139 = arith.constant 48 : i32
        %parallel_loop3A_140 = arith.addi %parallel_loop3A_96, %parallel_loop3A_139 : i32
        %parallel_loop3A_141 = arith.constant 1 : i32
        %parallel_loop3A_142 = arith.index_cast %parallel_loop3A_141 : i32 to index
        %parallel_loop3A_143 = arith.index_cast %parallel_loop3A_140 : i32 to index
        %parallel_loop3A_144 = tpu.vector_load %arg6[%parallel_loop3A_142, %parallel_loop3A_143] {strides = array<i32>} : memref<8x4096xf32, #tpu.memory_space<vmem>>, vector<16xf32>,
        %parallel_loop3A_145 = arith.constant 0 : i32
        %parallel_loop3A_146 = arith.addi %parallel_loop3A_96, %parallel_loop3A_145 : i32
        %parallel_loop3A_147 = arith.constant 2 : i32
        %parallel_loop3A_148 = arith.index_cast %parallel_loop3A_147 : i32 to index
        %parallel_loop3A_149 = arith.index_cast %parallel_loop3A_146 : i32 to index
        %parallel_loop3A_150 = tpu.vector_load %arg6[%parallel_loop3A_148, %parallel_loop3A_149] {strides = array<i32>} : memref<8x4096xf32, #tpu.memory_space<vmem>>, vector<16xf32>,
        %parallel_loop3A_151 = arith.constant 16 : i32
        %parallel_loop3A_152 = arith.addi %parallel_loop3A_96, %parallel_loop3A_151 : i32
        %parallel_loop3A_153 = arith.constant 2 : i32
        %parallel_loop3A_154 = arith.index_cast %parallel_loop3A_153 : i32 to index
        %parallel_loop3A_155 = arith.index_cast %parallel_loop3A_152 : i32 to index
        %parallel_loop3A_156 = tpu.vector_load %arg6[%parallel_loop3A_154, %parallel_loop3A_155] {strides = array<i32>} : memref<8x4096xf32, #tpu.memory_space<vmem>>, vector<16xf32>,
        %parallel_loop3A_157 = arith.constant 32 : i32
        %parallel_loop3A_158 = arith.addi %parallel_loop3A_96, %parallel_loop3A_157 : i32
        %parallel_loop3A_159 = arith.constant 2 : i32
        %parallel_loop3A_160 = arith.index_cast %parallel_loop3A_159 : i32 to index
        %parallel_loop3A_161 = arith.index_cast %parallel_loop3A_158 : i32 to index
        %parallel_loop3A_162 = tpu.vector_load %arg6[%parallel_loop3A_160, %parallel_loop3A_161] {strides = array<i32>} : memref<8x4096xf32, #tpu.memory_space<vmem>>, vector<16xf32>,
        %parallel_loop3A_163 = arith.constant 48 : i32
        %parallel_loop3A_164 = arith.addi %parallel_loop3A_96, %parallel_loop3A_163 : i32
        %parallel_loop3A_165 = arith.constant 2 : i32
        %parallel_loop3A_166 = arith.index_cast %parallel_loop3A_165 : i32 to index
        %parallel_loop3A_167 = arith.index_cast %parallel_loop3A_164 : i32 to index
        %parallel_loop3A_168 = tpu.vector_load %arg6[%parallel_loop3A_166, %parallel_loop3A_167] {strides = array<i32>} : memref<8x4096xf32, #tpu.memory_space<vmem>>, vector<16xf32>,
        %parallel_loop3A_169 = arith.constant 0 : i32
        %parallel_loop3A_170 = arith.addi %parallel_loop3A_96, %parallel_loop3A_169 : i32
        %parallel_loop3A_171 = arith.constant 3 : i32
        %parallel_loop3A_172 = arith.index_cast %parallel_loop3A_171 : i32 to index
        %parallel_loop3A_173 = arith.index_cast %parallel_loop3A_170 : i32 to index
        %parallel_loop3A_174 = tpu.vector_load %arg6[%parallel_loop3A_172, %parallel_loop3A_173] {strides = array<i32>} : memref<8x4096xf32, #tpu.memory_space<vmem>>, vector<16xf32>,
        %parallel_loop3A_175 = arith.constant 16 : i32
        %parallel_loop3A_176 = arith.addi %parallel_loop3A_96, %parallel_loop3A_175 : i32
        %parallel_loop3A_177 = arith.constant 3 : i32
        %parallel_loop3A_178 = arith.index_cast %parallel_loop3A_177 : i32 to index
        %parallel_loop3A_179 = arith.index_cast %parallel_loop3A_176 : i32 to index
        %parallel_loop3A_180 = tpu.vector_load %arg6[%parallel_loop3A_178, %parallel_loop3A_179] {strides = array<i32>} : memref<8x4096xf32, #tpu.memory_space<vmem>>, vector<16xf32>,
        %parallel_loop3A_181 = arith.constant 32 : i32
        %parallel_loop3A_182 = arith.addi %parallel_loop3A_96, %parallel_loop3A_181 : i32
        %parallel_loop3A_183 = arith.constant 3 : i32
        %parallel_loop3A_184 = arith.index_cast %parallel_loop3A_183 : i32 to index
        %parallel_loop3A_185 = arith.index_cast %parallel_loop3A_182 : i32 to index
        %parallel_loop3A_186 = tpu.vector_load %arg6[%parallel_loop3A_184, %parallel_loop3A_185] {strides = array<i32>} : memref<8x4096xf32, #tpu.memory_space<vmem>>, vector<16xf32>,
        %parallel_loop3A_187 = arith.constant 48 : i32
        %parallel_loop3A_188 = arith.addi %parallel_loop3A_96, %parallel_loop3A_187 : i32
        %parallel_loop3A_189 = arith.constant 3 : i32
        %parallel_loop3A_190 = arith.index_cast %parallel_loop3A_189 : i32 to index
        %parallel_loop3A_191 = arith.index_cast %parallel_loop3A_188 : i32 to index
        %parallel_loop3A_192 = tpu.vector_load %arg6[%parallel_loop3A_190, %parallel_loop3A_191] {strides = array<i32>} : memref<8x4096xf32, #tpu.memory_space<vmem>>, vector<16xf32>,
        %parallel_loop3A_193 = arith.constant 0 : i32
        %parallel_loop3A_194 = arith.addi %parallel_loop3A_96, %parallel_loop3A_193 : i32
        %parallel_loop3A_195 = arith.constant 4 : i32
        %parallel_loop3A_196 = arith.index_cast %parallel_loop3A_195 : i32 to index
        %parallel_loop3A_197 = arith.index_cast %parallel_loop3A_194 : i32 to index
        %parallel_loop3A_198 = tpu.vector_load %arg6[%parallel_loop3A_196, %parallel_loop3A_197] {strides = array<i32>} : memref<8x4096xf32, #tpu.memory_space<vmem>>, vector<16xf32>,
        %parallel_loop3A_199 = arith.constant 16 : i32
        %parallel_loop3A_200 = arith.addi %parallel_loop3A_96, %parallel_loop3A_199 : i32
        %parallel_loop3A_201 = arith.constant 4 : i32
        %parallel_loop3A_202 = arith.index_cast %parallel_loop3A_201 : i32 to index
        %parallel_loop3A_203 = arith.index_cast %parallel_loop3A_200 : i32 to index
        %parallel_loop3A_204 = tpu.vector_load %arg6[%parallel_loop3A_202, %parallel_loop3A_203] {strides = array<i32>} : memref<8x4096xf32, #tpu.memory_space<vmem>>, vector<16xf32>,
        %parallel_loop3A_205 = arith.constant 32 : i32
        %parallel_loop3A_206 = arith.addi %parallel_loop3A_96, %parallel_loop3A_205 : i32
        %parallel_loop3A_207 = arith.constant 4 : i32
        %parallel_loop3A_208 = arith.index_cast %parallel_loop3A_207 : i32 to index
        %parallel_loop3A_209 = arith.index_cast %parallel_loop3A_206 : i32 to index
        %parallel_loop3A_210 = tpu.vector_load %arg6[%parallel_loop3A_208, %parallel_loop3A_209] {strides = array<i32>} : memref<8x4096xf32, #tpu.memory_space<vmem>>, vector<16xf32>,
        %parallel_loop3A_211 = arith.constant 48 : i32
        %parallel_loop3A_212 = arith.addi %parallel_loop3A_96, %parallel_loop3A_211 : i32
        %parallel_loop3A_213 = arith.constant 4 : i32
        %parallel_loop3A_214 = arith.index_cast %parallel_loop3A_213 : i32 to index
        %parallel_loop3A_215 = arith.index_cast %parallel_loop3A_212 : i32 to index
        %parallel_loop3A_216 = tpu.vector_load %arg6[%parallel_loop3A_214, %parallel_loop3A_215] {strides = array<i32>} : memref<8x4096xf32, #tpu.memory_space<vmem>>, vector<16xf32>,
        %parallel_loop3A_217 = arith.constant 0 : i32
        %parallel_loop3A_218 = arith.addi %parallel_loop3A_96, %parallel_loop3A_217 : i32
        %parallel_loop3A_219 = arith.constant 5 : i32
        %parallel_loop3A_220 = arith.index_cast %parallel_loop3A_219 : i32 to index
        %parallel_loop3A_221 = arith.index_cast %parallel_loop3A_218 : i32 to index
        %parallel_loop3A_222 = tpu.vector_load %arg6[%parallel_loop3A_220, %parallel_loop3A_221] {strides = array<i32>} : memref<8x4096xf32, #tpu.memory_space<vmem>>, vector<16xf32>,
        %parallel_loop3A_223 = arith.constant 16 : i32
        %parallel_loop3A_224 = arith.addi %parallel_loop3A_96, %parallel_loop3A_223 : i32
        %parallel_loop3A_225 = arith.constant 5 : i32
        %parallel_loop3A_226 = arith.index_cast %parallel_loop3A_225 : i32 to index
        %parallel_loop3A_227 = arith.index_cast %parallel_loop3A_224 : i32 to index
        %parallel_loop3A_228 = tpu.vector_load %arg6[%parallel_loop3A_226, %parallel_loop3A_227] {strides = array<i32>} : memref<8x4096xf32, #tpu.memory_space<vmem>>, vector<16xf32>,
        %parallel_loop3A_229 = arith.constant 32 : i32
        %parallel_loop3A_230 = arith.addi %parallel_loop3A_96, %parallel_loop3A_229 : i32
        %parallel_loop3A_231 = arith.constant 5 : i32
        %parallel_loop3A_232 = arith.index_cast %parallel_loop3A_231 : i32 to index
        %parallel_loop3A_233 = arith.index_cast %parallel_loop3A_230 : i32 to index
        %parallel_loop3A_234 = tpu.vector_load %arg6[%parallel_loop3A_232, %parallel_loop3A_233] {strides = array<i32>} : memref<8x4096xf32, #tpu.memory_space<vmem>>, vector<16xf32>,
        %parallel_loop3A_235 = arith.constant 48 : i32
        %parallel_loop3A_236 = arith.addi %parallel_loop3A_96, %parallel_loop3A_235 : i32
        %parallel_loop3A_237 = arith.constant 5 : i32
        %parallel_loop3A_238 = arith.index_cast %parallel_loop3A_237 : i32 to index
        %parallel_loop3A_239 = arith.index_cast %parallel_loop3A_236 : i32 to index
        %parallel_loop3A_240 = tpu.vector_load %arg6[%parallel_loop3A_238, %parallel_loop3A_239] {strides = array<i32>} : memref<8x4096xf32, #tpu.memory_space<vmem>>, vector<16xf32>,
        %parallel_loop3A_241 = arith.constant 0 : i32
        %parallel_loop3A_242 = arith.addi %parallel_loop3A_96, %parallel_loop3A_241 : i32
        %parallel_loop3A_243 = arith.constant 6 : i32
        %parallel_loop3A_244 = arith.index_cast %parallel_loop3A_243 : i32 to index
        %parallel_loop3A_245 = arith.index_cast %parallel_loop3A_242 : i32 to index
        %parallel_loop3A_246 = tpu.vector_load %arg6[%parallel_loop3A_244, %parallel_loop3A_245] {strides = array<i32>} : memref<8x4096xf32, #tpu.memory_space<vmem>>, vector<16xf32>,
        %parallel_loop3A_247 = arith.constant 16 : i32
        %parallel_loop3A_248 = arith.addi %parallel_loop3A_96, %parallel_loop3A_247 : i32
        %parallel_loop3A_249 = arith.constant 6 : i32
        %parallel_loop3A_250 = arith.index_cast %parallel_loop3A_249 : i32 to index
        %parallel_loop3A_251 = arith.index_cast %parallel_loop3A_248 : i32 to index
        %parallel_loop3A_252 = tpu.vector_load %arg6[%parallel_loop3A_250, %parallel_loop3A_251] {strides = array<i32>} : memref<8x4096xf32, #tpu.memory_space<vmem>>, vector<16xf32>,
        %parallel_loop3A_253 = arith.constant 32 : i32
        %parallel_loop3A_254 = arith.addi %parallel_loop3A_96, %parallel_loop3A_253 : i32
        %parallel_loop3A_255 = arith.constant 6 : i32
        %parallel_loop3A_256 = arith.index_cast %parallel_loop3A_255 : i32 to index
        %parallel_loop3A_257 = arith.index_cast %parallel_loop3A_254 : i32 to index
        %parallel_loop3A_258 = tpu.vector_load %arg6[%parallel_loop3A_256, %parallel_loop3A_257] {strides = array<i32>} : memref<8x4096xf32, #tpu.memory_space<vmem>>, vector<16xf32>,
        %parallel_loop3A_259 = arith.constant 48 : i32
        %parallel_loop3A_260 = arith.addi %parallel_loop3A_96, %parallel_loop3A_259 : i32
        %parallel_loop3A_261 = arith.constant 6 : i32
        %parallel_loop3A_262 = arith.index_cast %parallel_loop3A_261 : i32 to index
        %parallel_loop3A_263 = arith.index_cast %parallel_loop3A_260 : i32 to index
        %parallel_loop3A_264 = tpu.vector_load %arg6[%parallel_loop3A_262, %parallel_loop3A_263] {strides = array<i32>} : memref<8x4096xf32, #tpu.memory_space<vmem>>, vector<16xf32>,
        %parallel_loop3A_265 = arith.constant 0 : i32
        %parallel_loop3A_266 = arith.addi %parallel_loop3A_96, %parallel_loop3A_265 : i32
        %parallel_loop3A_267 = arith.constant 7 : i32
        %parallel_loop3A_268 = arith.index_cast %parallel_loop3A_267 : i32 to index
        %parallel_loop3A_269 = arith.index_cast %parallel_loop3A_266 : i32 to index
        %parallel_loop3A_270 = tpu.vector_load %arg6[%parallel_loop3A_268, %parallel_loop3A_269] {strides = array<i32>} : memref<8x4096xf32, #tpu.memory_space<vmem>>, vector<16xf32>,
        %parallel_loop3A_271 = arith.constant 16 : i32
        %parallel_loop3A_272 = arith.addi %parallel_loop3A_96, %parallel_loop3A_271 : i32
        %parallel_loop3A_273 = arith.constant 7 : i32
        %parallel_loop3A_274 = arith.index_cast %parallel_loop3A_273 : i32 to index
        %parallel_loop3A_275 = arith.index_cast %parallel_loop3A_272 : i32 to index
        %parallel_loop3A_276 = tpu.vector_load %arg6[%parallel_loop3A_274, %parallel_loop3A_275] {strides = array<i32>} : memref<8x4096xf32, #tpu.memory_space<vmem>>, vector<16xf32>,
        %parallel_loop3A_277 = arith.constant 32 : i32
        %parallel_loop3A_278 = arith.addi %parallel_loop3A_96, %parallel_loop3A_277 : i32
        %parallel_loop3A_279 = arith.constant 7 : i32
        %parallel_loop3A_280 = arith.index_cast %parallel_loop3A_279 : i32 to index
        %parallel_loop3A_281 = arith.index_cast %parallel_loop3A_278 : i32 to index
        %parallel_loop3A_282 = tpu.vector_load %arg6[%parallel_loop3A_280, %parallel_loop3A_281] {strides = array<i32>} : memref<8x4096xf32, #tpu.memory_space<vmem>>, vector<16xf32>,
        %parallel_loop3A_283 = arith.constant 48 : i32
        %parallel_loop3A_284 = arith.addi %parallel_loop3A_96, %parallel_loop3A_283 : i32
        %parallel_loop3A_285 = arith.constant 7 : i32
        %parallel_loop3A_286 = arith.index_cast %parallel_loop3A_285 : i32 to index
        %parallel_loop3A_287 = arith.index_cast %parallel_loop3A_284 : i32 to index
        %parallel_loop3A_288 = tpu.vector_load %arg6[%parallel_loop3A_286, %parallel_loop3A_287] {strides = array<i32>} : memref<8x4096xf32, #tpu.memory_space<vmem>>, vector<16xf32>,
        %parallel_loop3A_289 = arith.mulf %parallel_loop3A_102, %get3A_3 : vector<16xf32>
        %parallel_loop3A_290 = math.absf %parallel_loop3A_289 : vector<16xf32>
        %parallel_loop3A_291 = arith.addf %parallel_loop3A_290, %broadcast_in_dim3A_18 : vector<16xf32>
        %parallel_loop3A_292 = arith.minimumf %parallel_loop3A_291, %broadcast_in_dim3A_16 : vector<16xf32>
        %parallel_loop3A_293 = arith.mulf %parallel_loop3A_108, %get3A_3 : vector<16xf32>
        %parallel_loop3A_294 = math.absf %parallel_loop3A_293 : vector<16xf32>
        %parallel_loop3A_295 = arith.addf %parallel_loop3A_294, %broadcast_in_dim3A_18 : vector<16xf32>
        %parallel_loop3A_296 = arith.minimumf %parallel_loop3A_295, %broadcast_in_dim3A_16 : vector<16xf32>
        %parallel_loop3A_297 = arith.mulf %parallel_loop3A_114, %get3A_3 : vector<16xf32>
        %parallel_loop3A_298 = math.absf %parallel_loop3A_297 : vector<16xf32>
        %parallel_loop3A_299 = arith.addf %parallel_loop3A_298, %broadcast_in_dim3A_18 : vector<16xf32>
        %parallel_loop3A_300 = arith.minimumf %parallel_loop3A_299, %broadcast_in_dim3A_16 : vector<16xf32>
        %parallel_loop3A_301 = arith.mulf %parallel_loop3A_120, %get3A_3 : vector<16xf32>
        %parallel_loop3A_302 = math.absf %parallel_loop3A_301 : vector<16xf32>
        %parallel_loop3A_303 = arith.addf %parallel_loop3A_302, %broadcast_in_dim3A_18 : vector<16xf32>
        %parallel_loop3A_304 = arith.minimumf %parallel_loop3A_303, %broadcast_in_dim3A_16 : vector<16xf32>
        %parallel_loop3A_305 = arith.mulf %parallel_loop3A_126, %get3A_3 : vector<16xf32>
        %parallel_loop3A_306 = math.absf %parallel_loop3A_305 : vector<16xf32>
        %parallel_loop3A_307 = arith.addf %parallel_loop3A_306, %broadcast_in_dim3A_18 : vector<16xf32>
        %parallel_loop3A_308 = arith.minimumf %parallel_loop3A_307, %broadcast_in_dim3A_16 : vector<16xf32>
        %parallel_loop3A_309 = arith.mulf %parallel_loop3A_132, %get3A_3 : vector<16xf32>
        %parallel_loop3A_310 = math.absf %parallel_loop3A_309 : vector<16xf32>
        %parallel_loop3A_311 = arith.addf %parallel_loop3A_310, %broadcast_in_dim3A_18 : vector<16xf32>
        %parallel_loop3A_312 = arith.minimumf %parallel_loop3A_311, %broadcast_in_dim3A_16 : vector<16xf32>
        %parallel_loop3A_313 = arith.mulf %parallel_loop3A_138, %get3A_3 : vector<16xf32>
        %parallel_loop3A_314 = math.absf %parallel_loop3A_313 : vector<16xf32>
        %parallel_loop3A_315 = arith.addf %parallel_loop3A_314, %broadcast_in_dim3A_18 : vector<16xf32>
        %parallel_loop3A_316 = arith.minimumf %parallel_loop3A_315, %broadcast_in_dim3A_16 : vector<16xf32>
        %parallel_loop3A_317 = arith.mulf %parallel_loop3A_144, %get3A_3 : vector<16xf32>
        %parallel_loop3A_318 = math.absf %parallel_loop3A_317 : vector<16xf32>
        %parallel_loop3A_319 = arith.addf %parallel_loop3A_318, %broadcast_in_dim3A_18 : vector<16xf32>
        %parallel_loop3A_320 = arith.minimumf %parallel_loop3A_319, %broadcast_in_dim3A_16 : vector<16xf32>
        %parallel_loop3A_321 = arith.mulf %parallel_loop3A_150, %get3A_3 : vector<16xf32>
        %parallel_loop3A_322 = math.absf %parallel_loop3A_321 : vector<16xf32>
        %parallel_loop3A_323 = arith.addf %parallel_loop3A_322, %broadcast_in_dim3A_18 : vector<16xf32>
        %parallel_loop3A_324 = arith.minimumf %parallel_loop3A_323, %broadcast_in_dim3A_16 : vector<16xf32>
        %parallel_loop3A_325 = arith.mulf %parallel_loop3A_156, %get3A_3 : vector<16xf32>
        %parallel_loop3A_326 = math.absf %parallel_loop3A_325 : vector<16xf32>
        %parallel_loop3A_327 = arith.addf %parallel_loop3A_326, %broadcast_in_dim3A_18 : vector<16xf32>
        %parallel_loop3A_328 = arith.minimumf %parallel_loop3A_327, %broadcast_in_dim3A_16 : vector<16xf32>
        %parallel_loop3A_329 = arith.mulf %parallel_loop3A_162, %get3A_3 : vector<16xf32>
        %parallel_loop3A_330 = math.absf %parallel_loop3A_329 : vector<16xf32>
        %parallel_loop3A_331 = arith.addf %parallel_loop3A_330, %broadcast_in_dim3A_18 : vector<16xf32>
        %parallel_loop3A_332 = arith.minimumf %parallel_loop3A_331, %broadcast_in_dim3A_16 : vector<16xf32>
        %parallel_loop3A_333 = arith.mulf %parallel_loop3A_168, %get3A_3 : vector<16xf32>
        %parallel_loop3A_334 = math.absf %parallel_loop3A_333 : vector<16xf32>
        %parallel_loop3A_335 = arith.addf %parallel_loop3A_334, %broadcast_in_dim3A_18 : vector<16xf32>
        %parallel_loop3A_336 = arith.minimumf %parallel_loop3A_335, %broadcast_in_dim3A_16 : vector<16xf32>
        %parallel_loop3A_337 = arith.mulf %parallel_loop3A_174, %get3A_3 : vector<16xf32>
        %parallel_loop3A_338 = math.absf %parallel_loop3A_337 : vector<16xf32>
        %parallel_loop3A_339 = arith.addf %parallel_loop3A_338, %broadcast_in_dim3A_18 : vector<16xf32>
        %parallel_loop3A_340 = arith.minimumf %parallel_loop3A_339, %broadcast_in_dim3A_16 : vector<16xf32>
        %parallel_loop3A_341 = arith.mulf %parallel_loop3A_180, %get3A_3 : vector<16xf32>
        %parallel_loop3A_342 = math.absf %parallel_loop3A_341 : vector<16xf32>
        %parallel_loop3A_343 = arith.addf %parallel_loop3A_342, %broadcast_in_dim3A_18 : vector<16xf32>
        %parallel_loop3A_344 = arith.minimumf %parallel_loop3A_343, %broadcast_in_dim3A_16 : vector<16xf32>
        %parallel_loop3A_345 = arith.mulf %parallel_loop3A_186, %get3A_3 : vector<16xf32>
        %parallel_loop3A_346 = math.absf %parallel_loop3A_345 : vector<16xf32>
        %parallel_loop3A_347 = arith.addf %parallel_loop3A_346, %broadcast_in_dim3A_18 : vector<16xf32>
        %parallel_loop3A_348 = arith.minimumf %parallel_loop3A_347, %broadcast_in_dim3A_16 : vector<16xf32>
        %parallel_loop3A_349 = arith.mulf %parallel_loop3A_192, %get3A_3 : vector<16xf32>
        %parallel_loop3A_350 = math.absf %parallel_loop3A_349 : vector<16xf32>
        %parallel_loop3A_351 = arith.addf %parallel_loop3A_350, %broadcast_in_dim3A_18 : vector<16xf32>
        %parallel_loop3A_352 = arith.minimumf %parallel_loop3A_351, %broadcast_in_dim3A_16 : vector<16xf32>
        %parallel_loop3A_353 = arith.mulf %parallel_loop3A_198, %get3A_3 : vector<16xf32>
        %parallel_loop3A_354 = math.absf %parallel_loop3A_353 : vector<16xf32>
        %parallel_loop3A_355 = arith.addf %parallel_loop3A_354, %broadcast_in_dim3A_18 : vector<16xf32>
        %parallel_loop3A_356 = arith.minimumf %parallel_loop3A_355, %broadcast_in_dim3A_16 : vector<16xf32>
        %parallel_loop3A_357 = arith.mulf %parallel_loop3A_204, %get3A_3 : vector<16xf32>
        %parallel_loop3A_358 = math.absf %parallel_loop3A_357 : vector<16xf32>
        %parallel_loop3A_359 = arith.addf %parallel_loop3A_358, %broadcast_in_dim3A_18 : vector<16xf32>
        %parallel_loop3A_360 = arith.minimumf %parallel_loop3A_359, %broadcast_in_dim3A_16 : vector<16xf32>
        %parallel_loop3A_361 = arith.mulf %parallel_loop3A_210, %get3A_3 : vector<16xf32>
        %parallel_loop3A_362 = math.absf %parallel_loop3A_361 : vector<16xf32>
        %parallel_loop3A_363 = arith.addf %parallel_loop3A_362, %broadcast_in_dim3A_18 : vector<16xf32>
        %parallel_loop3A_364 = arith.minimumf %parallel_loop3A_363, %broadcast_in_dim3A_16 : vector<16xf32>
        %parallel_loop3A_365 = arith.mulf %parallel_loop3A_216, %get3A_3 : vector<16xf32>
        %parallel_loop3A_366 = math.absf %parallel_loop3A_365 : vector<16xf32>
        %parallel_loop3A_367 = arith.addf %parallel_loop3A_366, %broadcast_in_dim3A_18 : vector<16xf32>
        %parallel_loop3A_368 = arith.minimumf %parallel_loop3A_367, %broadcast_in_dim3A_16 : vector<16xf32>
        %parallel_loop3A_369 = arith.mulf %parallel_loop3A_222, %get3A_3 : vector<16xf32>
        %parallel_loop3A_370 = math.absf %parallel_loop3A_369 : vector<16xf32>
        %parallel_loop3A_371 = arith.addf %parallel_loop3A_370, %broadcast_in_dim3A_18 : vector<16xf32>
        %parallel_loop3A_372 = arith.minimumf %parallel_loop3A_371, %broadcast_in_dim3A_16 : vector<16xf32>
        %parallel_loop3A_373 = arith.mulf %parallel_loop3A_228, %get3A_3 : vector<16xf32>
        %parallel_loop3A_374 = math.absf %parallel_loop3A_373 : vector<16xf32>
        %parallel_loop3A_375 = arith.addf %parallel_loop3A_374, %broadcast_in_dim3A_18 : vector<16xf32>
        %parallel_loop3A_376 = arith.minimumf %parallel_loop3A_375, %broadcast_in_dim3A_16 : vector<16xf32>
        %parallel_loop3A_377 = arith.mulf %parallel_loop3A_234, %get3A_3 : vector<16xf32>
        %parallel_loop3A_378 = math.absf %parallel_loop3A_377 : vector<16xf32>
        %parallel_loop3A_379 = arith.addf %parallel_loop3A_378, %broadcast_in_dim3A_18 : vector<16xf32>
        %parallel_loop3A_380 = arith.minimumf %parallel_loop3A_379, %broadcast_in_dim3A_16 : vector<16xf32>
        %parallel_loop3A_381 = arith.mulf %parallel_loop3A_240, %get3A_3 : vector<16xf32>
        %parallel_loop3A_382 = math.absf %parallel_loop3A_381 : vector<16xf32>
        %parallel_loop3A_383 = arith.addf %parallel_loop3A_382, %broadcast_in_dim3A_18 : vector<16xf32>
        %parallel_loop3A_384 = arith.minimumf %parallel_loop3A_383, %broadcast_in_dim3A_16 : vector<16xf32>
        %parallel_loop3A_385 = arith.mulf %parallel_loop3A_246, %get3A_3 : vector<16xf32>
        %parallel_loop3A_386 = math.absf %parallel_loop3A_385 : vector<16xf32>
        %parallel_loop3A_387 = arith.addf %parallel_loop3A_386, %broadcast_in_dim3A_18 : vector<16xf32>
        %parallel_loop3A_388 = arith.minimumf %parallel_loop3A_387, %broadcast_in_dim3A_16 : vector<16xf32>
        %parallel_loop3A_389 = arith.mulf %parallel_loop3A_252, %get3A_3 : vector<16xf32>
        %parallel_loop3A_390 = math.absf %parallel_loop3A_389 : vector<16xf32>
        %parallel_loop3A_391 = arith.addf %parallel_loop3A_390, %broadcast_in_dim3A_18 : vector<16xf32>
        %parallel_loop3A_392 = arith.minimumf %parallel_loop3A_391, %broadcast_in_dim3A_16 : vector<16xf32>
        %parallel_loop3A_393 = arith.mulf %parallel_loop3A_258, %get3A_3 : vector<16xf32>
        %parallel_loop3A_394 = math.absf %parallel_loop3A_393 : vector<16xf32>
        %parallel_loop3A_395 = arith.addf %parallel_loop3A_394, %broadcast_in_dim3A_18 : vector<16xf32>
        %parallel_loop3A_396 = arith.minimumf %parallel_loop3A_395, %broadcast_in_dim3A_16 : vector<16xf32>
        %parallel_loop3A_397 = arith.mulf %parallel_loop3A_264, %get3A_3 : vector<16xf32>
        %parallel_loop3A_398 = math.absf %parallel_loop3A_397 : vector<16xf32>
        %parallel_loop3A_399 = arith.addf %parallel_loop3A_398, %broadcast_in_dim3A_18 : vector<16xf32>
        %parallel_loop3A_400 = arith.minimumf %parallel_loop3A_399, %broadcast_in_dim3A_16 : vector<16xf32>
        %parallel_loop3A_401 = arith.mulf %parallel_loop3A_270, %get3A_3 : vector<16xf32>
        %parallel_loop3A_402 = math.absf %parallel_loop3A_401 : vector<16xf32>
        %parallel_loop3A_403 = arith.addf %parallel_loop3A_402, %broadcast_in_dim3A_18 : vector<16xf32>
        %parallel_loop3A_404 = arith.minimumf %parallel_loop3A_403, %broadcast_in_dim3A_16 : vector<16xf32>
        %parallel_loop3A_405 = arith.mulf %parallel_loop3A_276, %get3A_3 : vector<16xf32>
        %parallel_loop3A_406 = math.absf %parallel_loop3A_405 : vector<16xf32>
        %parallel_loop3A_407 = arith.addf %parallel_loop3A_406, %broadcast_in_dim3A_18 : vector<16xf32>
        %parallel_loop3A_408 = arith.minimumf %parallel_loop3A_407, %broadcast_in_dim3A_16 : vector<16xf32>
        %parallel_loop3A_409 = arith.mulf %parallel_loop3A_282, %get3A_3 : vector<16xf32>
        %parallel_loop3A_410 = math.absf %parallel_loop3A_409 : vector<16xf32>
        %parallel_loop3A_411 = arith.addf %parallel_loop3A_410, %broadcast_in_dim3A_18 : vector<16xf32>
        %parallel_loop3A_412 = arith.minimumf %parallel_loop3A_411, %broadcast_in_dim3A_16 : vector<16xf32>
        %parallel_loop3A_413 = arith.mulf %parallel_loop3A_288, %get3A_3 : vector<16xf32>
        %parallel_loop3A_414 = math.absf %parallel_loop3A_413 : vector<16xf32>
        %parallel_loop3A_415 = arith.addf %parallel_loop3A_414, %broadcast_in_dim3A_18 : vector<16xf32>
        %parallel_loop3A_416 = arith.minimumf %parallel_loop3A_415, %broadcast_in_dim3A_16 : vector<16xf32>
        %parallel_loop3A_417 = vector.bitcast %parallel_loop3A_292 : vector<16xf32> to vector<16xi32>
        %parallel_loop3A_418 = arith.addi %parallel_loop3A_417, %add3A_12 : vector<16xi32>
        %parallel_loop3A_419 = vector.bitcast %parallel_loop3A_296 : vector<16xf32> to vector<16xi32>
        %parallel_loop3A_420 = arith.addi %parallel_loop3A_419, %add3A_12 : vector<16xi32>
        %parallel_loop3A_421 = vector.bitcast %parallel_loop3A_300 : vector<16xf32> to vector<16xi32>
        %parallel_loop3A_422 = arith.addi %parallel_loop3A_421, %add3A_12 : vector<16xi32>
        %parallel_loop3A_423 = vector.bitcast %parallel_loop3A_304 : vector<16xf32> to vector<16xi32>
        %parallel_loop3A_424 = arith.addi %parallel_loop3A_423, %add3A_12 : vector<16xi32>
        %parallel_loop3A_425 = vector.bitcast %parallel_loop3A_308 : vector<16xf32> to vector<16xi32>
        %parallel_loop3A_426 = arith.addi %parallel_loop3A_425, %add3A_12 : vector<16xi32>
        %parallel_loop3A_427 = vector.bitcast %parallel_loop3A_312 : vector<16xf32> to vector<16xi32>
        %parallel_loop3A_428 = arith.addi %parallel_loop3A_427, %add3A_12 : vector<16xi32>
        %parallel_loop3A_429 = vector.bitcast %parallel_loop3A_316 : vector<16xf32> to vector<16xi32>
        %parallel_loop3A_430 = arith.addi %parallel_loop3A_429, %add3A_12 : vector<16xi32>
        %parallel_loop3A_431 = vector.bitcast %parallel_loop3A_320 : vector<16xf32> to vector<16xi32>
        %parallel_loop3A_432 = arith.addi %parallel_loop3A_431, %add3A_12 : vector<16xi32>
        %parallel_loop3A_433 = vector.bitcast %parallel_loop3A_324 : vector<16xf32> to vector<16xi32>
        %parallel_loop3A_434 = arith.addi %parallel_loop3A_433, %add3A_12 : vector<16xi32>
        %parallel_loop3A_435 = vector.bitcast %parallel_loop3A_328 : vector<16xf32> to vector<16xi32>
        %parallel_loop3A_436 = arith.addi %parallel_loop3A_435, %add3A_12 : vector<16xi32>
        %parallel_loop3A_437 = vector.bitcast %parallel_loop3A_332 : vector<16xf32> to vector<16xi32>
        %parallel_loop3A_438 = arith.addi %parallel_loop3A_437, %add3A_12 : vector<16xi32>
        %parallel_loop3A_439 = vector.bitcast %parallel_loop3A_336 : vector<16xf32> to vector<16xi32>
        %parallel_loop3A_440 = arith.addi %parallel_loop3A_439, %add3A_12 : vector<16xi32>
        %parallel_loop3A_441 = vector.bitcast %parallel_loop3A_340 : vector<16xf32> to vector<16xi32>
        %parallel_loop3A_442 = arith.addi %parallel_loop3A_441, %add3A_12 : vector<16xi32>
        %parallel_loop3A_443 = vector.bitcast %parallel_loop3A_344 : vector<16xf32> to vector<16xi32>
        %parallel_loop3A_444 = arith.addi %parallel_loop3A_443, %add3A_12 : vector<16xi32>
        %parallel_loop3A_445 = vector.bitcast %parallel_loop3A_348 : vector<16xf32> to vector<16xi32>
        %parallel_loop3A_446 = arith.addi %parallel_loop3A_445, %add3A_12 : vector<16xi32>
        %parallel_loop3A_447 = vector.bitcast %parallel_loop3A_352 : vector<16xf32> to vector<16xi32>
        %parallel_loop3A_448 = arith.addi %parallel_loop3A_447, %add3A_12 : vector<16xi32>
        %parallel_loop3A_449 = vector.bitcast %parallel_loop3A_356 : vector<16xf32> to vector<16xi32>
        %parallel_loop3A_450 = arith.addi %parallel_loop3A_449, %add3A_12 : vector<16xi32>
        %parallel_loop3A_451 = vector.bitcast %parallel_loop3A_360 : vector<16xf32> to vector<16xi32>
        %parallel_loop3A_452 = arith.addi %parallel_loop3A_451, %add3A_12 : vector<16xi32>
        %parallel_loop3A_453 = vector.bitcast %parallel_loop3A_364 : vector<16xf32> to vector<16xi32>
        %parallel_loop3A_454 = arith.addi %parallel_loop3A_453, %add3A_12 : vector<16xi32>
        %parallel_loop3A_455 = vector.bitcast %parallel_loop3A_368 : vector<16xf32> to vector<16xi32>
        %parallel_loop3A_456 = arith.addi %parallel_loop3A_455, %add3A_12 : vector<16xi32>
        %parallel_loop3A_457 = vector.bitcast %parallel_loop3A_372 : vector<16xf32> to vector<16xi32>
        %parallel_loop3A_458 = arith.addi %parallel_loop3A_457, %add3A_12 : vector<16xi32>
        %parallel_loop3A_459 = vector.bitcast %parallel_loop3A_376 : vector<16xf32> to vector<16xi32>
        %parallel_loop3A_460 = arith.addi %parallel_loop3A_459, %add3A_12 : vector<16xi32>
        %parallel_loop3A_461 = vector.bitcast %parallel_loop3A_380 : vector<16xf32> to vector<16xi32>
        %parallel_loop3A_462 = arith.addi %parallel_loop3A_461, %add3A_12 : vector<16xi32>
        %parallel_loop3A_463 = vector.bitcast %parallel_loop3A_384 : vector<16xf32> to vector<16xi32>
        %parallel_loop3A_464 = arith.addi %parallel_loop3A_463, %add3A_12 : vector<16xi32>
        %parallel_loop3A_465 = vector.bitcast %parallel_loop3A_388 : vector<16xf32> to vector<16xi32>
        %parallel_loop3A_466 = arith.addi %parallel_loop3A_465, %add3A_12 : vector<16xi32>
        %parallel_loop3A_467 = vector.bitcast %parallel_loop3A_392 : vector<16xf32> to vector<16xi32>
        %parallel_loop3A_468 = arith.addi %parallel_loop3A_467, %add3A_12 : vector<16xi32>
        %parallel_loop3A_469 = vector.bitcast %parallel_loop3A_396 : vector<16xf32> to vector<16xi32>
        %parallel_loop3A_470 = arith.addi %parallel_loop3A_469, %add3A_12 : vector<16xi32>
        %parallel_loop3A_471 = vector.bitcast %parallel_loop3A_400 : vector<16xf32> to vector<16xi32>
        %parallel_loop3A_472 = arith.addi %parallel_loop3A_471, %add3A_12 : vector<16xi32>
        %parallel_loop3A_473 = vector.bitcast %parallel_loop3A_404 : vector<16xf32> to vector<16xi32>
        %parallel_loop3A_474 = arith.addi %parallel_loop3A_473, %add3A_12 : vector<16xi32>
        %parallel_loop3A_475 = vector.bitcast %parallel_loop3A_408 : vector<16xf32> to vector<16xi32>
        %parallel_loop3A_476 = arith.addi %parallel_loop3A_475, %add3A_12 : vector<16xi32>
        %parallel_loop3A_477 = vector.bitcast %parallel_loop3A_412 : vector<16xf32> to vector<16xi32>
        %parallel_loop3A_478 = arith.addi %parallel_loop3A_477, %add3A_12 : vector<16xi32>
        %parallel_loop3A_479 = vector.bitcast %parallel_loop3A_416 : vector<16xf32> to vector<16xi32>
        %parallel_loop3A_480 = arith.addi %parallel_loop3A_479, %add3A_12 : vector<16xi32>
        tpu.vector_store_idx %arg7[%parallel_loop3A_418], %broadcast_in_dim3A_14 {add = true} : memref<33024xf32, #tpu.memory_space<vmem>>[vector<16xi32>], vector<16xf32>,
        tpu.vector_store_idx %arg7[%parallel_loop3A_420], %broadcast_in_dim3A_14 {add = true} : memref<33024xf32, #tpu.memory_space<vmem>>[vector<16xi32>], vector<16xf32>,
        tpu.vector_store_idx %arg7[%parallel_loop3A_422], %broadcast_in_dim3A_14 {add = true} : memref<33024xf32, #tpu.memory_space<vmem>>[vector<16xi32>], vector<16xf32>,
        tpu.vector_store_idx %arg7[%parallel_loop3A_424], %broadcast_in_dim3A_14 {add = true} : memref<33024xf32, #tpu.memory_space<vmem>>[vector<16xi32>], vector<16xf32>,
        tpu.vector_store_idx %arg7[%parallel_loop3A_426], %broadcast_in_dim3A_14 {add = true} : memref<33024xf32, #tpu.memory_space<vmem>>[vector<16xi32>], vector<16xf32>,
        tpu.vector_store_idx %arg7[%parallel_loop3A_428], %broadcast_in_dim3A_14 {add = true} : memref<33024xf32, #tpu.memory_space<vmem>>[vector<16xi32>], vector<16xf32>,
        tpu.vector_store_idx %arg7[%parallel_loop3A_430], %broadcast_in_dim3A_14 {add = true} : memref<33024xf32, #tpu.memory_space<vmem>>[vector<16xi32>], vector<16xf32>,
        tpu.vector_store_idx %arg7[%parallel_loop3A_432], %broadcast_in_dim3A_14 {add = true} : memref<33024xf32, #tpu.memory_space<vmem>>[vector<16xi32>], vector<16xf32>,
        tpu.vector_store_idx %arg7[%parallel_loop3A_434], %broadcast_in_dim3A_14 {add = true} : memref<33024xf32, #tpu.memory_space<vmem>>[vector<16xi32>], vector<16xf32>,
        tpu.vector_store_idx %arg7[%parallel_loop3A_436], %broadcast_in_dim3A_14 {add = true} : memref<33024xf32, #tpu.memory_space<vmem>>[vector<16xi32>], vector<16xf32>,
        tpu.vector_store_idx %arg7[%parallel_loop3A_438], %broadcast_in_dim3A_14 {add = true} : memref<33024xf32, #tpu.memory_space<vmem>>[vector<16xi32>], vector<16xf32>,
        tpu.vector_store_idx %arg7[%parallel_loop3A_440], %broadcast_in_dim3A_14 {add = true} : memref<33024xf32, #tpu.memory_space<vmem>>[vector<16xi32>], vector<16xf32>,
        tpu.vector_store_idx %arg7[%parallel_loop3A_442], %broadcast_in_dim3A_14 {add = true} : memref<33024xf32, #tpu.memory_space<vmem>>[vector<16xi32>], vector<16xf32>,
        tpu.vector_store_idx %arg7[%parallel_loop3A_444], %broadcast_in_dim3A_14 {add = true} : memref<33024xf32, #tpu.memory_space<vmem>>[vector<16xi32>], vector<16xf32>,
        tpu.vector_store_idx %arg7[%parallel_loop3A_446], %broadcast_in_dim3A_14 {add = true} : memref<33024xf32, #tpu.memory_space<vmem>>[vector<16xi32>], vector<16xf32>,
        tpu.vector_store_idx %arg7[%parallel_loop3A_448], %broadcast_in_dim3A_14 {add = true} : memref<33024xf32, #tpu.memory_space<vmem>>[vector<16xi32>], vector<16xf32>,
        tpu.vector_store_idx %arg7[%parallel_loop3A_450], %broadcast_in_dim3A_14 {add = true} : memref<33024xf32, #tpu.memory_space<vmem>>[vector<16xi32>], vector<16xf32>,
        tpu.vector_store_idx %arg7[%parallel_loop3A_452], %broadcast_in_dim3A_14 {add = true} : memref<33024xf32, #tpu.memory_space<vmem>>[vector<16xi32>], vector<16xf32>,
        tpu.vector_store_idx %arg7[%parallel_loop3A_454], %broadcast_in_dim3A_14 {add = true} : memref<33024xf32, #tpu.memory_space<vmem>>[vector<16xi32>], vector<16xf32>,
        tpu.vector_store_idx %arg7[%parallel_loop3A_456], %broadcast_in_dim3A_14 {add = true} : memref<33024xf32, #tpu.memory_space<vmem>>[vector<16xi32>], vector<16xf32>,
        tpu.vector_store_idx %arg7[%parallel_loop3A_458], %broadcast_in_dim3A_14 {add = true} : memref<33024xf32, #tpu.memory_space<vmem>>[vector<16xi32>], vector<16xf32>,
        tpu.vector_store_idx %arg7[%parallel_loop3A_460], %broadcast_in_dim3A_14 {add = true} : memref<33024xf32, #tpu.memory_space<vmem>>[vector<16xi32>], vector<16xf32>,
        tpu.vector_store_idx %arg7[%parallel_loop3A_462], %broadcast_in_dim3A_14 {add = true} : memref<33024xf32, #tpu.memory_space<vmem>>[vector<16xi32>], vector<16xf32>,
        tpu.vector_store_idx %arg7[%parallel_loop3A_464], %broadcast_in_dim3A_14 {add = true} : memref<33024xf32, #tpu.memory_space<vmem>>[vector<16xi32>], vector<16xf32>,
        tpu.vector_store_idx %arg7[%parallel_loop3A_466], %broadcast_in_dim3A_14 {add = true} : memref<33024xf32, #tpu.memory_space<vmem>>[vector<16xi32>], vector<16xf32>,
        tpu.vector_store_idx %arg7[%parallel_loop3A_468], %broadcast_in_dim3A_14 {add = true} : memref<33024xf32, #tpu.memory_space<vmem>>[vector<16xi32>], vector<16xf32>,
        tpu.vector_store_idx %arg7[%parallel_loop3A_470], %broadcast_in_dim3A_14 {add = true} : memref<33024xf32, #tpu.memory_space<vmem>>[vector<16xi32>], vector<16xf32>,
        tpu.vector_store_idx %arg7[%parallel_loop3A_472], %broadcast_in_dim3A_14 {add = true} : memref<33024xf32, #tpu.memory_space<vmem>>[vector<16xi32>], vector<16xf32>,
        tpu.vector_store_idx %arg7[%parallel_loop3A_474], %broadcast_in_dim3A_14 {add = true} : memref<33024xf32, #tpu.memory_space<vmem>>[vector<16xi32>], vector<16xf32>,
        tpu.vector_store_idx %arg7[%parallel_loop3A_476], %broadcast_in_dim3A_14 {add = true} : memref<33024xf32, #tpu.memory_space<vmem>>[vector<16xi32>], vector<16xf32>,
        tpu.vector_store_idx %arg7[%parallel_loop3A_478], %broadcast_in_dim3A_14 {add = true} : memref<33024xf32, #tpu.memory_space<vmem>>[vector<16xi32>], vector<16xf32>,
        tpu.vector_store_idx %arg7[%parallel_loop3A_480], %broadcast_in_dim3A_14 {add = true} : memref<33024xf32, #tpu.memory_space<vmem>>[vector<16xi32>], vector<16xf32>,
      } {sc.loop_unroll_factor = 1 : i64, sc.parallel_access}
      %scan3A_93 = arith.constant 0 : i32
      scf.yield %scan3A_93 : i32
    }
    %scan3A_29 = arith.constant 16 : i32
    %parallel_loop3A_30 = arith.constant 0 : i32
    %parallel_loop3A_31 = arith.constant 128 : i32
    %parallel_loop3A_32 = arith.constant 1 : i32
    scf.for %parallel_loop3A_55 = %parallel_loop3A_30 to %parallel_loop3A_31 step %parallel_loop3A_32  : i32 {
      %parallel_loop3A_56 = arith.constant 16 : i32
      %parallel_loop3A_57 = arith.muli %parallel_loop3A_55, %parallel_loop3A_56 : i32
      %parallel_loop3A_58 = arith.constant 16 : i32
      %parallel_loop3A_59 = arith.addi %parallel_loop3A_58, %parallel_loop3A_57 : i32
      %parallel_loop3A_60 = arith.index_cast %parallel_loop3A_59 : i32 to index
      %parallel_loop3A_61 = tpu.vector_load %arg7[%parallel_loop3A_60] {strides = array<i32>} : memref<33024xf32, #tpu.memory_space<vmem>>, vector<16xf32>,
      %parallel_loop3A_62 = arith.constant 16 : i32
      %parallel_loop3A_63 = arith.muli %parallel_loop3A_55, %parallel_loop3A_62 : i32
      %parallel_loop3A_64 = arith.constant 2080 : i32
      %parallel_loop3A_65 = arith.addi %parallel_loop3A_64, %parallel_loop3A_63 : i32
      %parallel_loop3A_66 = arith.index_cast %parallel_loop3A_65 : i32 to index
      %parallel_loop3A_67 = tpu.vector_load %arg7[%parallel_loop3A_66] {strides = array<i32>} : memref<33024xf32, #tpu.memory_space<vmem>>, vector<16xf32>,
      %parallel_loop3A_68 = arith.addf %parallel_loop3A_61, %parallel_loop3A_67 : vector<16xf32>
      %parallel_loop3A_69 = arith.constant 16 : i32
      %parallel_loop3A_70 = arith.muli %parallel_loop3A_55, %parallel_loop3A_69 : i32
      %parallel_loop3A_71 = arith.constant 4144 : i32
      %parallel_loop3A_72 = arith.addi %parallel_loop3A_71, %parallel_loop3A_70 : i32
      %parallel_loop3A_73 = arith.index_cast %parallel_loop3A_72 : i32 to index
      %parallel_loop3A_74 = tpu.vector_load %arg7[%parallel_loop3A_73] {strides = array<i32>} : memref<33024xf32, #tpu.memory_space<vmem>>, vector<16xf32>,
      %parallel_loop3A_75 = arith.addf %parallel_loop3A_68, %parallel_loop3A_74 : vector<16xf32>
      %parallel_loop3A_76 = arith.constant 16 : i32
      %parallel_loop3A_77 = arith.muli %parallel_loop3A_55, %parallel_loop3A_76 : i32
      %parallel_loop3A_78 = arith.constant 6208 : i32
      %parallel_loop3A_79 = arith.addi %parallel_loop3A_78, %parallel_loop3A_77 : i32
      %parallel_loop3A_80 = arith.index_cast %parallel_loop3A_79 : i32 to index
      %parallel_loop3A_81 = tpu.vector_load %arg7[%parallel_loop3A_80] {strides = array<i32>} : memref<33024xf32, #tpu.memory_space<vmem>>, vector<16xf32>,
      %parallel_loop3A_82 = arith.addf %parallel_loop3A_75, %parallel_loop3A_81 : vector<16xf32>
      %parallel_loop3A_83 = arith.constant 16 : i32
      %parallel_loop3A_84 = arith.muli %parallel_loop3A_55, %parallel_loop3A_83 : i32
      %parallel_loop3A_85 = arith.constant 8272 : i32
      %parallel_loop3A_86 = arith.addi %parallel_loop3A_85, %parallel_loop3A_84 : i32
      %parallel_loop3A_87 = arith.index_cast %parallel_loop3A_86 : i32 to index
      %parallel_loop3A_88 = tpu.vector_load %arg7[%parallel_loop3A_87] {strides = array<i32>} : memref<33024xf32, #tpu.memory_space<vmem>>, vector<16xf32>,
      %parallel_loop3A_89 = arith.addf %parallel_loop3A_82, %parallel_loop3A_88 : vector<16xf32>
      %parallel_loop3A_90 = arith.constant 16 : i32
      %parallel_loop3A_91 = arith.muli %parallel_loop3A_55, %parallel_loop3A_90 : i32
      %parallel_loop3A_92 = arith.constant 10336 : i32
      %parallel_loop3A_93 = arith.addi %parallel_loop3A_92, %parallel_loop3A_91 : i32
      %parallel_loop3A_94 = arith.index_cast %parallel_loop3A_93 : i32 to index
      %parallel_loop3A_95 = tpu.vector_load %arg7[%parallel_loop3A_94] {strides = array<i32>} : memref<33024xf32, #tpu.memory_space<vmem>>, vector<16xf32>,
      %parallel_loop3A_96 = arith.addf %parallel_loop3A_89, %parallel_loop3A_95 : vector<16xf32>
      %parallel_loop3A_97 = arith.constant 16 : i32
      %parallel_loop3A_98 = arith.muli %parallel_loop3A_55, %parallel_loop3A_97 : i32
      %parallel_loop3A_99 = arith.constant 12400 : i32
      %parallel_loop3A_100 = arith.addi %parallel_loop3A_99, %parallel_loop3A_98 : i32
      %parallel_loop3A_101 = arith.index_cast %parallel_loop3A_100 : i32 to index
      %parallel_loop3A_102 = tpu.vector_load %arg7[%parallel_loop3A_101] {strides = array<i32>} : memref<33024xf32, #tpu.memory_space<vmem>>, vector<16xf32>,
      %parallel_loop3A_103 = arith.addf %parallel_loop3A_96, %parallel_loop3A_102 : vector<16xf32>
      %parallel_loop3A_104 = arith.constant 16 : i32
      %parallel_loop3A_105 = arith.muli %parallel_loop3A_55, %parallel_loop3A_104 : i32
      %parallel_loop3A_106 = arith.constant 14464 : i32
      %parallel_loop3A_107 = arith.addi %parallel_loop3A_106, %parallel_loop3A_105 : i32
      %parallel_loop3A_108 = arith.index_cast %parallel_loop3A_107 : i32 to index
      %parallel_loop3A_109 = tpu.vector_load %arg7[%parallel_loop3A_108] {strides = array<i32>} : memref<33024xf32, #tpu.memory_space<vmem>>, vector<16xf32>,
      %parallel_loop3A_110 = arith.addf %parallel_loop3A_103, %parallel_loop3A_109 : vector<16xf32>
      %parallel_loop3A_111 = arith.constant 16 : i32
      %parallel_loop3A_112 = arith.muli %parallel_loop3A_55, %parallel_loop3A_111 : i32
      %parallel_loop3A_113 = arith.constant 16528 : i32
      %parallel_loop3A_114 = arith.addi %parallel_loop3A_113, %parallel_loop3A_112 : i32
      %parallel_loop3A_115 = arith.index_cast %parallel_loop3A_114 : i32 to index
      %parallel_loop3A_116 = tpu.vector_load %arg7[%parallel_loop3A_115] {strides = array<i32>} : memref<33024xf32, #tpu.memory_space<vmem>>, vector<16xf32>,
      %parallel_loop3A_117 = arith.addf %parallel_loop3A_110, %parallel_loop3A_116 : vector<16xf32>
      %parallel_loop3A_118 = arith.constant 16 : i32
      %parallel_loop3A_119 = arith.muli %parallel_loop3A_55, %parallel_loop3A_118 : i32
      %parallel_loop3A_120 = arith.constant 18592 : i32
      %parallel_loop3A_121 = arith.addi %parallel_loop3A_120, %parallel_loop3A_119 : i32
      %parallel_loop3A_122 = arith.index_cast %parallel_loop3A_121 : i32 to index
      %parallel_loop3A_123 = tpu.vector_load %arg7[%parallel_loop3A_122] {strides = array<i32>} : memref<33024xf32, #tpu.memory_space<vmem>>, vector<16xf32>,
      %parallel_loop3A_124 = arith.addf %parallel_loop3A_117, %parallel_loop3A_123 : vector<16xf32>
      %parallel_loop3A_125 = arith.constant 16 : i32
      %parallel_loop3A_126 = arith.muli %parallel_loop3A_55, %parallel_loop3A_125 : i32
      %parallel_loop3A_127 = arith.constant 20656 : i32
      %parallel_loop3A_128 = arith.addi %parallel_loop3A_127, %parallel_loop3A_126 : i32
      %parallel_loop3A_129 = arith.index_cast %parallel_loop3A_128 : i32 to index
      %parallel_loop3A_130 = tpu.vector_load %arg7[%parallel_loop3A_129] {strides = array<i32>} : memref<33024xf32, #tpu.memory_space<vmem>>, vector<16xf32>,
      %parallel_loop3A_131 = arith.addf %parallel_loop3A_124, %parallel_loop3A_130 : vector<16xf32>
      %parallel_loop3A_132 = arith.constant 16 : i32
      %parallel_loop3A_133 = arith.muli %parallel_loop3A_55, %parallel_loop3A_132 : i32
      %parallel_loop3A_134 = arith.constant 22720 : i32
      %parallel_loop3A_135 = arith.addi %parallel_loop3A_134, %parallel_loop3A_133 : i32
      %parallel_loop3A_136 = arith.index_cast %parallel_loop3A_135 : i32 to index
      %parallel_loop3A_137 = tpu.vector_load %arg7[%parallel_loop3A_136] {strides = array<i32>} : memref<33024xf32, #tpu.memory_space<vmem>>, vector<16xf32>,
      %parallel_loop3A_138 = arith.addf %parallel_loop3A_131, %parallel_loop3A_137 : vector<16xf32>
      %parallel_loop3A_139 = arith.constant 16 : i32
      %parallel_loop3A_140 = arith.muli %parallel_loop3A_55, %parallel_loop3A_139 : i32
      %parallel_loop3A_141 = arith.constant 24784 : i32
      %parallel_loop3A_142 = arith.addi %parallel_loop3A_141, %parallel_loop3A_140 : i32
      %parallel_loop3A_143 = arith.index_cast %parallel_loop3A_142 : i32 to index
      %parallel_loop3A_144 = tpu.vector_load %arg7[%parallel_loop3A_143] {strides = array<i32>} : memref<33024xf32, #tpu.memory_space<vmem>>, vector<16xf32>,
      %parallel_loop3A_145 = arith.addf %parallel_loop3A_138, %parallel_loop3A_144 : vector<16xf32>
      %parallel_loop3A_146 = arith.constant 16 : i32
      %parallel_loop3A_147 = arith.muli %parallel_loop3A_55, %parallel_loop3A_146 : i32
      %parallel_loop3A_148 = arith.constant 26848 : i32
      %parallel_loop3A_149 = arith.addi %parallel_loop3A_148, %parallel_loop3A_147 : i32
      %parallel_loop3A_150 = arith.index_cast %parallel_loop3A_149 : i32 to index
      %parallel_loop3A_151 = tpu.vector_load %arg7[%parallel_loop3A_150] {strides = array<i32>} : memref<33024xf32, #tpu.memory_space<vmem>>, vector<16xf32>,
      %parallel_loop3A_152 = arith.addf %parallel_loop3A_145, %parallel_loop3A_151 : vector<16xf32>
      %parallel_loop3A_153 = arith.constant 16 : i32
      %parallel_loop3A_154 = arith.muli %parallel_loop3A_55, %parallel_loop3A_153 : i32
      %parallel_loop3A_155 = arith.constant 28912 : i32
      %parallel_loop3A_156 = arith.addi %parallel_loop3A_155, %parallel_loop3A_154 : i32
      %parallel_loop3A_157 = arith.index_cast %parallel_loop3A_156 : i32 to index
      %parallel_loop3A_158 = tpu.vector_load %arg7[%parallel_loop3A_157] {strides = array<i32>} : memref<33024xf32, #tpu.memory_space<vmem>>, vector<16xf32>,
      %parallel_loop3A_159 = arith.addf %parallel_loop3A_152, %parallel_loop3A_158 : vector<16xf32>
      %parallel_loop3A_160 = arith.constant 16 : i32
      %parallel_loop3A_161 = arith.muli %parallel_loop3A_55, %parallel_loop3A_160 : i32
      %parallel_loop3A_162 = arith.constant 30976 : i32
      %parallel_loop3A_163 = arith.addi %parallel_loop3A_162, %parallel_loop3A_161 : i32
      %parallel_loop3A_164 = arith.index_cast %parallel_loop3A_163 : i32 to index
      %parallel_loop3A_165 = tpu.vector_load %arg7[%parallel_loop3A_164] {strides = array<i32>} : memref<33024xf32, #tpu.memory_space<vmem>>, vector<16xf32>,
      %parallel_loop3A_166 = arith.addf %parallel_loop3A_159, %parallel_loop3A_165 : vector<16xf32>
      %parallel_loop3A_167 = arith.constant 16 : i32
      %parallel_loop3A_168 = arith.muli %parallel_loop3A_55, %parallel_loop3A_167 : i32
      %parallel_loop3A_169 = arith.index_cast %parallel_loop3A_168 : i32 to index
      %parallel_loop3A_170 = tpu.vector_load %arg8[%parallel_loop3A_169] {strides = array<i32>} : memref<2048xf32, #tpu.memory_space<vmem>>, vector<16xf32>,
      tpu.vector_store %arg8[%parallel_loop3A_169], %parallel_loop3A_166 {strides = array<i32>} : memref<2048xf32, #tpu.memory_space<vmem>>, vector<16xf32>,
    } {sc.loop_unroll_factor = 2 : i64, sc.parallel_access}
    %iota3A_33 = tpu.iota {dimensions = array<i32: 0>} : vector<16xi32>
    %mul3A_34 = arith.constant 2064 : i32
    %mul3A_35 = vector.broadcast %mul3A_34 : i32 to vector<16xi32>
    %mul3A_36 = arith.muli %iota3A_33, %mul3A_35 : vector<16xi32>
    %add3A_37 = arith.constant 15 : i32
    %add3A_38 = vector.broadcast %add3A_37 : i32 to vector<16xi32>
    %add3A_39 = arith.addi %mul3A_36, %add3A_38 : vector<16xi32>
    %gather3A = tpu.vector_load_idx %arg7[%add3A_39] : memref<33024xf32, #tpu.memory_space<vmem>>[vector<16xi32>], vector<16xf32>,
    %reduce_sum3A = arith.constant true
    %reduce_sum3A_40 = vector.broadcast %reduce_sum3A : i1 to vector<16xi1>
    %reduce_sum3A_41 = tpu.scan <sum>, %gather3A masked %reduce_sum3A_40 : vector<16xf32>, vector<16xi1> -> vector<16xf32>
    %reduce_sum3A_42 = vector.extract %reduce_sum3A_41[15] : f32 from vector<16xf32>
    %get3A_43 = arith.constant 0 : index
    %get3A_44 = tpu.vector_load %arg8[%get3A_43] {strides = array<i32>} : memref<2048xf32, #tpu.memory_space<vmem>>, vector<16xf32>,
    %iota3A_45 = tpu.iota {dimensions = array<i32: 0>} : vector<16xi32>
    %eq3A = arith.constant 0 : i32
    %eq3A_46 = vector.broadcast %eq3A : i32 to vector<16xi32>
    %eq3A_47 = arith.cmpi eq, %iota3A_45, %eq3A_46 : vector<16xi32>
    %broadcast_in_dim3A_48 = arith.constant 0.000000e+00 : f32
    %broadcast_in_dim3A_49 = vector.broadcast %broadcast_in_dim3A_48 : f32 to vector<16xf32>
    %broadcast_in_dim3A_50 = vector.broadcast %reduce_sum3A_42 : f32 to vector<16xf32>
    %select_n3A = arith.select %eq3A_47, %broadcast_in_dim3A_50, %broadcast_in_dim3A_49 : vector<16xi1>, vector<16xf32>
    %add3A_51 = arith.addf %get3A_44, %select_n3A : vector<16xf32>
    %swap3A = arith.constant 0 : index
    %swap3A_52 = tpu.vector_load %arg8[%swap3A] {strides = array<i32>} : memref<2048xf32, #tpu.memory_space<vmem>>, vector<16xf32>,
    tpu.vector_store %arg8[%swap3A], %add3A_51 {strides = array<i32>} : memref<2048xf32, #tpu.memory_space<vmem>>, vector<16xf32>,
    %mul3A_53 = arith.constant 2048 : i32
    %mul3A_54 = arith.muli %add3A, %mul3A_53 : i32
    "tpu.region"() ({
      %run_scoped3A = tpu.sem_alloc : memref<!tpu.dma_semaphore, #tpu.memory_space<semaphore_mem>>
      %dma_start3A_55 = tpu.memref_slice %arg4[%mul3A_54] : memref<65536xf32, #tpu.memory_space<hbm>> -> memref<2048xf32, #tpu.memory_space<hbm>>
      %dma_start3A_56 = tpu.memref_slice %arg4[%mul3A_54] : memref<65536xf32, #tpu.memory_space<hbm>> -> memref<2048xf32, #tpu.memory_space<hbm>>
      tpu.enqueue_dma source(%arg8 : memref<2048xf32, #tpu.memory_space<vmem>>) target(%dma_start3A_56 : memref<2048xf32, #tpu.memory_space<hbm>>) target_semaphore(%run_scoped3A : memref<!tpu.dma_semaphore, #tpu.memory_space<semaphore_mem>>)
      %dma_wait3A = tpu.memref_slice %arg4[%mul3A_54] : memref<65536xf32, #tpu.memory_space<hbm>> -> memref<2048xf32, #tpu.memory_space<hbm>>
      %dma_wait3A_57 = tpu.memref_slice %arg4[%mul3A_54] : memref<65536xf32, #tpu.memory_space<hbm>> -> memref<2048xf32, #tpu.memory_space<hbm>>
      tpu.wait_dma2 semaphore(%run_scoped3A : memref<!tpu.dma_semaphore, #tpu.memory_space<semaphore_mem>>) src(%arg8 : memref<2048xf32, #tpu.memory_space<vmem>>) dst(%dma_wait3A_57 : memref<2048xf32, #tpu.memory_space<hbm>>)
      tpu.yield
    }) : () -> ()
    return
  }
}

module attributes {stable_mosaic.version = 14 : i64} {
  func.func @_tc_copy_body(%arg0: i32, %arg1: memref<256x4096xf32, #tpu.memory_space<vmem>>, %arg2: memref<256x4096xf32, #tpu.memory_space<vmem>>) attributes {dimension_semantics = [#tpu.dimension_semantics<arbitrary>], iteration_bounds = array<i64: 32>, scalar_prefetch = 0 : i64, scratch_operands = 0 : i64, tpu.core_type = #tpu.core_type<tc>, window_params = [{transform_indices = @transform_0, window_bounds = array<i64: 256, 4096>}, {transform_indices = @transform_1, window_bounds = array<i64: 256, 4096>}]} {
    %get3A = arith.constant 0 : index
    %get3A_0 = arith.constant 0 : index
    %get3A_1 = vector.load %arg1[%get3A, %get3A_0] : memref<256x4096xf32, #tpu.memory_space<vmem>>, vector<256x4096xf32>
    %swap3A = arith.constant 0 : index
    %swap3A_2 = arith.constant 0 : index
    %swap3A_3 = vector.load %arg2[%swap3A, %swap3A_2] : memref<256x4096xf32, #tpu.memory_space<vmem>>, vector<256x4096xf32>
    tpu.vector_store %arg2[%swap3A, %swap3A_2], %get3A_1 {strides = array<i32>} : memref<256x4096xf32, #tpu.memory_space<vmem>>, vector<256x4096xf32>,
    return
  }
  func.func @transform_0(%arg0: i32) -> (i32, i32) {
    %c0_i32 = arith.constant 0 : i32
    %c0_i32_0 = arith.constant 0 : i32
    return %arg0, %c0_i32 : i32, i32
  }
  func.func @transform_1(%arg0: i32) -> (i32, i32) {
    %c0_i32 = arith.constant 0 : i32
    %c0_i32_0 = arith.constant 0 : i32
    return %arg0, %c0_i32 : i32, i32
  }
}

module attributes {stable_mosaic.version = 14 : i64} {
  func.func @_tc_max_body(%arg0: i32, %arg1: memref<512x4096xf32, #tpu.memory_space<vmem>>, %arg2: memref<1x1xf32, #tpu.memory_space<vmem>>) attributes {dimension_semantics = [#tpu.dimension_semantics<arbitrary>], iteration_bounds = array<i64: 16>, scalar_prefetch = 0 : i64, scratch_operands = 0 : i64, tpu.core_type = #tpu.core_type<tc>, window_params = [{transform_indices = @transform_0, window_bounds = array<i64: 512, 4096>}, {pipeline_mode = #tpu.pipeline_mode<synchronous>, transform_indices = @transform_1, window_bounds = array<i64: 1, 1>}]} {
    %get3A = arith.constant 0 : index
    %get3A_0 = arith.constant 0 : index
    %get3A_1 = vector.load %arg1[%get3A, %get3A_0] : memref<512x4096xf32, #tpu.memory_space<vmem>>, vector<512x4096xf32>
    %abs3A = math.absf %get3A_1 : vector<512x4096xf32>
    %reduce_max3A = vector.shape_cast %abs3A : vector<512x4096xf32> to vector<1x512x4096xf32>
    %reduce_max3A_2 = arith.constant dense<0xFF800000> : vector<1xf32>
    %reduce_max3A_3 = vector.multi_reduction <maximumf>, %reduce_max3A, %reduce_max3A_2 [1, 2] : vector<1x512x4096xf32> to vector<1xf32>
    %reduce_max3A_4 = vector.shape_cast %reduce_max3A_3 : vector<1xf32> to vector<1x1x1xf32>
    %reduce_max3A_5 = vector.extract %reduce_max3A_4[0, 0, 0] : f32 from vector<1x1x1xf32>
    %reshape3A = vector.broadcast %reduce_max3A_5 : f32 to vector<1x1xf32>
    %eq3A = arith.constant 0 : i32
    %eq3A_6 = arith.cmpi eq, %arg0, %eq3A : i32
    %convert_element_type3A = arith.extui %eq3A_6 : i1 to i32
    %cond3A = arith.constant 0 : i32
    %cond3A_7 = arith.cmpi ne, %convert_element_type3A, %cond3A : i32
    scf.if %cond3A_7 {
      %swap3A = arith.constant 0 : index
      %swap3A_12 = arith.constant 0 : index
      %swap3A_13 = vector.load %arg2[%swap3A, %swap3A_12] : memref<1x1xf32, #tpu.memory_space<vmem>>, vector<1x1xf32>
      tpu.vector_store %arg2[%swap3A, %swap3A_12], %reshape3A {strides = array<i32>} : memref<1x1xf32, #tpu.memory_space<vmem>>, vector<1x1xf32>,
    } else {
    }
    %gt3A = arith.constant 0 : i32
    %gt3A_8 = arith.cmpi sgt, %arg0, %gt3A : i32
    %convert_element_type3A_9 = arith.extui %gt3A_8 : i1 to i32
    %cond3A_10 = arith.constant 0 : i32
    %cond3A_11 = arith.cmpi ne, %convert_element_type3A_9, %cond3A_10 : i32
    scf.if %cond3A_11 {
      %get3A_12 = arith.constant 0 : index
      %get3A_13 = arith.constant 0 : index
      %get3A_14 = vector.load %arg2[%get3A_12, %get3A_13] : memref<1x1xf32, #tpu.memory_space<vmem>>, vector<1x1xf32>
      %max3A = arith.maximumf %get3A_14, %reshape3A : vector<1x1xf32>
      %swap3A = arith.constant 0 : index
      %swap3A_15 = arith.constant 0 : index
      %swap3A_16 = vector.load %arg2[%swap3A, %swap3A_15] : memref<1x1xf32, #tpu.memory_space<vmem>>, vector<1x1xf32>
      tpu.vector_store %arg2[%swap3A, %swap3A_15], %max3A {strides = array<i32>} : memref<1x1xf32, #tpu.memory_space<vmem>>, vector<1x1xf32>,
    } else {
    }
    return
  }
  func.func @transform_0(%arg0: i32) -> (i32, i32) {
    %c0_i32 = arith.constant 0 : i32
    %c0_i32_0 = arith.constant 0 : i32
    return %arg0, %c0_i32 : i32, i32
  }
  func.func @transform_1(%arg0: i32) -> (i32, i32) {
    %c0_i32 = arith.constant 0 : i32
    %c0_i32_0 = arith.constant 0 : i32
    %c0_i32_1 = arith.constant 0 : i32
    return %c0_i32, %c0_i32_0 : i32, i32
  }
}

</mosaic_0001>

<sc_bundles>
// kernel: kernel.5.cloned.1.call-start
scs
__scs_entry_jumppad:
0x0: {  	(pc) =	sbr.rel $0x88, $3  }
0x1: {  	(tag) =	ssettag $0x0;
	lr =	simm.s32 $0x1  }
0x2: {  	[smem:$0x3FA0] =	sst lr;
	_ =	strace $0xD0000000  }
0x3: {  	_ = 	snop  }
0x4: {  	_ = 	snop  }
0x5: {  	_ = 	snop  }
0x6: {  	_ = 	snop  }
0x7: {  	_ = 	snop  }
__scs_overlays_trampoline_lowered:
0x8: {  	[smem:$0x3FAF] =	sst s0  }
0x9: {  	[smem:$0x3FB0] =	sst s1  }
0xa: {  	[smem:$0x3FB1] =	sst s2  }
0xb: {  	[smem:$0x3FB2] =	sst s3  }
0xc: {  	[smem:$0x3FB3] =	sst s4  }
0xd: {  	[smem:$0x3FB4] =	sst s5  }
0xe: {  	[smem:$0x3FB5] =	sst s6  }
0xf: {  	[smem:$0x3FB6] =	sst s7  }
0x10: {  	[smem:$0x3FB7] =	sst s8  }
0x11: {  	[smem:$0x3FB8] =	sst s9;
	s0 =	simm.s32 @!p0 $0x0  }
0x12: {  	s1 =	sld [smem:$0x3F9E];
	s0 =	simm.s32 @p0 $0x1  }
0x13: {  	[smem:$0x3FB9] =	sst s0;
	s0 =	simm.s32 @!p1 $0x0  }
0x14: {  	s2 =	sld [smem:$0x3F9D];
	s0 =	simm.s32 @p1 $0x1  }
0x15: {  	[smem:$0x3FBA] =	sst s0;
	s0 =	simm.s32 @!p2 $0x0  }
0x16: {  	s3 =	sld [smem:$0x3FDB];
	s0 =	simm.s32 @p2 $0x1  }
0x17: {  	s4 =	simm.s32 $0x1BF5;
	[smem:$0x3FBC] =	sst s0  }
0x18: {  	s0 =	sld [smem:$0x3F9F];
	_ =	swait.ge [sflag:s4], $0x0  }
0x19: {  	s7 =	sld [smem:$0x3FA0]  }
0x1a: {  	s8 =	sadd.s32 $0xFFFFE003, lr  }
0x1b: {  	s9 =	sadd.s32 $0xFFFFFEF7, lr;
	s5 =	simm.s32 $0xFFFFFFFF;
	p2 =	slt.u32 s8, $0xFFFFF086  }
0x1c: {  	p1 =	slt.u32 s9, $0xF7A;
	s5 =	simm.s32 @!p2 $0x0  }
0x1d: {  	s5 =	simm.s32 @p1 $0x1;
	p0 =	seq.s32 s7, s2  }
0x1e: {  	s7 =	smul.u32 @!p0 $0xF7A, s2;
	p2 =	seq.s32 @!p0 s5, $0x0  }
0x1f: {  	s9 =	smul.u32 $0xF7A, s1;
	s8 =	simm.s32 @!p0 $0x1BF5;
	p2 =	por !p2, p0  }
0x20: {  	[sflag:s8] =	ssyncset.s32 @!p0 $0xFFFFF086;
	s6 =	sadd.s32 @!p0 s3, s7;
	s7 =	simm.s32 @!p0 $0x108  }
0x21: {  	s3 =	sadd.s32 s3, s9;
	s6 =	sadd.s32 @!p0 $0x88, s6;
	s7 =	simm.s32 @p2 $0x1082  }
0x22: {  	[simem:s7], [sflag:s8] =	dma.local @!p0 [hbm:s6], $0xF7A  }
0x23: {  	s9 =	sor.u32 $0xD0000000, s2;
	s6 =	simm.s32 $0x108;
	_ =	swait.ge @!p0 [sflag:s8], $0x0  }
0x24: {  	s3 =	sadd.s32 $0x88, s3;
	s6 =	simm.s32 @!p1 $0x1082;
	[sflag:s4] =	ssyncset.s32 $0xFFFFF086  }
0x25: {  	[simem:s6], [sflag:s4] =	dma.local [hbm:s3], $0xF7A  }
0x26: {  	[smem:$0x3FA0] =	sst s1;
	(tag) =	ssettag s2;
	_ =	strace s9  }
0x27: {  	s1 =	sld [smem:$0x3FB0]  }
0x28: {  	s2 =	sld [smem:$0x3FB1]  }
0x29: {  	s4 =	sld [smem:$0x3FB3]  }
0x2a: {  	p0 =	seq.s32 s5, $0x0;
	s5 =	sld [smem:$0x3FB4]  }
0x2b: {  	s6 =	sld [smem:$0x3FB5]  }
0x2c: {  	s7 =	sld [smem:$0x3FB6]  }
0x2d: {  	s3 =	simm.s32 $0x108;
	s8 =	sld [smem:$0x3FB7]  }
0x2e: {  	s3 =	simm.s32 @!p0 $0x1082;
	s9 =	sld [smem:$0x3FB8]  }
0x2f: {  	lr =	sadd.s32 s0, s3;
	s0 =	sld [smem:$0x3FAF]  }
0x30: {  	s3 =	sld [smem:$0x3FB2]  }
0x31: {  	[smem:$0x3FBB] =	sst s10  }
0x32: {  	s10 =	sld [smem:$0x3FB9];
	_ =	sdelay $0x3  }
0x33: {  	p0 =	seq.s32 s10, $0x1;
	s10 =	sld [smem:$0x3FBB];
	_ =	sdelay $0x3  }
0x34: {  	[smem:$0x3FBB] =	sst s10  }
0x35: {  	s10 =	sld [smem:$0x3FBA];
	_ =	sdelay $0x3  }
0x36: {  	p1 =	seq.s32 s10, $0x1;
	s10 =	sld [smem:$0x3FBB];
	_ =	sdelay $0x3  }
0x37: {  	[smem:$0x3FBB] =	sst s10  }
0x38: {  	s10 =	sld [smem:$0x3FBC]  }
0x39: {  	_ = 	snop;
	(pc) =	sbr.ind lr, $3  }
0x3a: {  	_ = 	snop  }
0x3b: {  	_ = 	snop  }
0x3c: {  	p2 =	seq.s32 s10, $0x1;
	s10 =	sld [smem:$0x3FBB]  }
0x3d: {  	_ =	shalt  }
0x3e: {  	_ =	shalt  }
0x3f: {  	_ =	shalt  }
0x40: {  	_ =	shalt  }
0x41: {  	_ =	shalt  }
0x42: {  	_ =	shalt  }
0x43: {  	_ =	shalt  }
0x44: {  	_ =	shalt  }
0x45: {  	_ =	shalt  }
0x46: {  	_ =	shalt  }
0x47: {  	_ =	shalt  }
0x48: {  	_ =	shalt  }
0x49: {  	_ =	shalt  }
0x4a: {  	_ =	shalt  }
0x4b: {  	_ =	shalt  }
0x4c: {  	_ =	shalt  }
0x4d: {  	_ =	shalt  }
0x4e: {  	_ =	shalt  }
0x4f: {  	_ =	shalt  }
0x50: {  	_ =	shalt  }
0x51: {  	_ =	shalt  }
0x52: {  	_ =	shalt  }
0x53: {  	_ =	shalt  }
0x54: {  	_ =	shalt  }
0x55: {  	_ =	shalt  }
0x56: {  	_ =	shalt  }
0x57: {  	_ =	shalt  }
0x58: {  	_ =	shalt  }
0x59: {  	_ =	shalt  }
0x5a: {  	_ =	shalt  }
0x5b: {  	_ =	shalt  }
0x5c: {  	_ =	shalt  }
0x5d: {  	_ =	shalt  }
0x5e: {  	_ =	shalt  }
0x5f: {  	_ =	shalt  }
0x60: {  	_ =	shalt  }
0x61: {  	_ =	shalt  }
0x62: {  	_ =	shalt  }
0x63: {  	_ =	shalt  }
0x64: {  	_ =	shalt  }
0x65: {  	_ =	shalt  }
0x66: {  	_ =	shalt  }
0x67: {  	_ =	shalt  }
0x68: {  	_ =	shalt  }
0x69: {  	_ =	shalt  }
0x6a: {  	_ =	shalt  }
0x6b: {  	_ =	shalt  }
0x6c: {  	_ =	shalt  }
0x6d: {  	_ =	shalt  }
0x6e: {  	_ =	shalt  }
0x6f: {  	_ =	shalt  }
0x70: {  	_ =	shalt  }
0x71: {  	_ =	shalt  }
0x72: {  	_ =	shalt  }
0x73: {  	_ =	shalt  }
0x74: {  	_ =	shalt  }
0x75: {  	_ =	shalt  }
0x76: {  	_ =	shalt  }
0x77: {  	_ =	shalt  }
0x78: {  	_ =	shalt  }
0x79: {  	_ =	shalt  }
0x7a: {  	_ =	shalt  }
0x7b: {  	_ =	shalt  }
0x7c: {  	_ =	shalt  }
0x7d: {  	_ =	shalt  }
0x7e: {  	_ =	shalt  }
0x7f: {  	_ =	shalt  }
0x80: {  	_ =	shalt  }
0x81: {  	_ =	shalt  }
0x82: {  	_ =	shalt  }
0x83: {  	_ =	shalt  }
0x84: {  	_ =	shalt  }
0x85: {  	_ =	shalt  }
0x86: {  	_ =	shalt  }
0x87: {  	_ =	shalt  }
.Lfunc_end0:
.L_simem_size_0:
called_computation_lowered:
.L_overlay_start_0:
0x88: {  	s2 =	sld [smem:$0x3FD9]  }
0x89: {  	s3 =	sld [smem:$0x3FFE];
	_ =	sdelay $0x1  }
0x8a: {  	s1 =	srdreg.scid  }
0x8b: {  	s0 =	sand.u32 $0x1, s1  }
0x8c: {  	s17 =	sshll.u32 s0, $0xA;
	s2 =	sadd.s32 s3, s2  }
0x8d: {  	s2 =	sadd.s32 s2, s17  }
0x8e: {  	[smem:$0x3FC7] =	sst s2  }
0x8f: {  	_ = 	snop  }
0x90: {  	s2 =	sld [smem:$0x3FC9];
	(tm) =	ssettm $0x1  }
0x91: {  	s18 =	sld [smem:$0x3FFB];
	_ =	sdelay $0x3  }
0x92: {  	_ =	strace s18  }
0x93: {  	s3 =	sld [smem:$0x3FFC];
	_ =	sdelay $0x3  }
0x94: {  	_ =	strace s3  }
0x95: {  	s3 =	sld [smem:$0x3FFD];
	_ =	sdelay $0x3  }
0x96: {  	_ =	strace s3  }
0x97: {  	_ =	strace $0x8FFFFFFF  }
0x98: {  	s19 =	sld [smem:$0x3FDB];
	_ =	sdelay $0x1  }
0x99: {  	s4 =	simm.s32 $_scs_section_size  }
0x9a: {  	s5 =	simm.s32 $_size__tile_overlayer_lowered;
	s6 =	simm.s32 $_tile_overlayer_lowered  }
0x9b: {  	s22 =	simm.s32 $0x1BFF;
	s21 =	sshll.u32 s6, $0x1;
	s3 =	sadd.s32 s4, s19  }
0x9c: {  	s7 =	simm.s32 $0x0;
	s20 =	sshll.u32 s5, $0x1;
	s5 =	sadd.s32 s21, s3  }
0x9d: {  	[timem:s7], [sflag:s22] =	dma.local [hbm:s5], s20  }
0x9e: {  	_ =	swait.ge [sflag:s22], s20  }
0x9f: {  	s4 =	ssub.s32 $0x0, s20;
	[sflag:s22] =	ssyncset.done $0x0  }
0xa0: {  	[sflag:s22] =	ssyncadd.s32 s4;
	_ =	sdelay $0x1  }
0xa1: {  	s23 =	simm.s32 $0x1B8B  }
0xa2: {  	_ =	swait.ge [sflag:s23], $0x1  }
0xa3: {  	[sflag:s23] =	ssyncset.done $0x0  }
0xa4: {  	s25 =	simm.s32 $0x1B8E;
	s24 =	sld [smem:$0x3FFE];
	[sflag:s23] =	ssyncadd.s32 $0xFFFFFFFF  }
0xa5: {  	s26 =	simm.s32 $execute0_lowered;
	[smem:$0x3FD2] =	sst s25  }
0xa6: {  	s5 =	sshll.u32 s26, $0x1;
	_ =	strace $0x80000046;
	[dreg:$0x1] =	wrdreg $0xFFFFFFFF  }
0xa7: {  	s28 =	simm.s32 $_size_execute0_lowered;
	s3 =	sadd.s32 s3, s5;
	[dreg:$0x0] =	wrdreg $0x0  }
0xa8: {  	s5 =	sshll.u32 s28, $0x1;
	[dreg:$0x2] =	wrdreg s3  }
0xa9: {  	[dreg:$0x3] =	wrdreg s5  }
0xaa: {  	[dreg:$0x4] =	wrdreg $0xC0  }
0xab: {  	_ =	task [dreg:s7], $0x5FFFF  }
0xac: {  	[dreg:$0x1] =	wrdreg $0xFFFFFFFF  }
0xad: {  	[dreg:$0x0] =	wrdreg $0x60  }
0xae: {  	[dreg:$0x2] =	wrdreg s2  }
0xaf: {  	[dreg:$0x3] =	wrdreg s24  }
0xb0: {  	[dreg:$0x4] =	wrdreg $0x9  }
0xb1: {  	_ =	task.clear_ibuf [dreg:s7], $0x5FFFF;
	_ =	strace $0x90000046  }
0xb2: {  	s29 =	simm.s32 $0x9;
	_ =	strace $0x80000048  }
0xb3: {  	_ =	swait.ge [sflag:s29], $0x1  }
0xb4: {  	[sflag:s29] =	ssyncadd.s32 $0xFFFFFFFF  }
0xb5: {  	_ =	strace $0x90000048  }
0xb6: {  	_ =	sfence  }
0xb7: {  	s30 =	sld [smem:$0x0];
	_ =	sdelay $0x2  }
0xb8: {  	s31 =	sshll.u32 s1, $0xD;
	s1 =	sshrl.u32 s1, $0x2  }
0xb9: {  	s3 =	sand.u32 $0x4000, s31;
	s1 =	sadd.s32 s1, s30  }
0xba: {  	s0 =	sor.u32 s3, s0;
	s1 =	sshll.u32 s1, $0x11  }
0xbb: {  	s0 =	sor.u32 s1, s0  }
0xbc: {  	s0 =	sadd.s32 $0x8F2B, s0  }
0xbd: {  	[sflag:s0] =	ssyncadd.remote.s32 $0x1  }
0xbe: {  	_ =	sfence.sel $0xFFFF  }
0xbf: {  	[dreg:$0x0] =	wrdreg $0xFFFFFFFF;
	(pc) =	sbr.abs _section_cstart, $3  }
0xc0: {  	[dreg:$0x1] =	wrdreg $0xFFFFFFFF  }
0xc1: {  	_ =	task.clear_ibuf [dreg:s7], $0x2FFFF;
	_ =	strace $0x9FFFFFFF  }
0xc2: {  	(tm) =	ssettm $0x7FFFFFFF  }
0xc3: {  	_ =	shalt  }
tec
execute0_lowered:
.L_overlay_start_1:
0x0: {  	(tag) =	ssettag $0x1  }
0x1: {  	s4 =	rddreg [dreg:$0x0]  }
0x2: {  	s2 =	rddreg [dreg:$0x1];
	s3 =	simm.s32 $0x0  }
0x3: {  	s5 =	srdreg.scid;
	s0 =	stileid.u32;
	s10 =	simm.s32 $0x3  }
0x4: {  	s11 =	simm.s32 $0x8000;
	s12 =	simm.s32 $0x1;
	s13 =	simm.s32 $0x10000  }
0x5: {  	s14 =	simm.s32 $0x2;
	s5 =	sand.u32 $0x1, s5;
	s6 =	sshll.u32 s0, $0x1  }
0x6: {  	v0 =	vlaneseq.u32;
	s16 =	simm.s32 $0x0;
	[smem:$0x7FF] =	sst s3;
	s6 =	sor.u32 s5, s6  }
0x7: {  	v3 =	vmul.u32 $0x810, v0;
	s5 =	ssub.s32 $0x2, s5;
	s7 =	sshll.u32 s6, $0x8;
	s6 =	sshll.u32 s6, $0x11  }
0x8: {  	_ =	strace $0x80000047;
	s8 =	sshrl.u32 s5, $0x1;
	s4 =	sadd.s32 s4, s6  }
0x9: {  	v1 =	vadd.s32 $0xB5000010, v3;
	v3 =	vor.u32 $0xF, v3;
	s7 =	sadd.s32 s7, s2;
	s8 =	ssub.s32 s5, s8;
	s5 =	sadd.s32 $0x2000, s4  }
0xa: {  	v2 =	vimm.f32 $1.000000000e+00;
	vm0 =	vmmov $0x1;
	v0 =	vimm.f32 $0.0e+00;
	[tilespmem:$0x1FFF0] =	vst v3;
	s6 =	sadd.s32 $0x200, s7;
	s7 =	smax.u32 s8, $0x1;
	s8 =	sadd.s32 $0x1000, s4  }
.LBB2_1:
0xb: {  	s0 =	simm.s32 $0x18900  }
0xc: {  	[tilespmem:s0], [sflag:$0x3] =	stream.linear.gather [hbm4b:s2+s3], $0x80, $0x38;
	[tilespmem:$0x18980] =	vst v63  }
0xd: {  	_ =	swait.ge [sflag:s10], $0x80  }
0xe: {  	[sflag:s10] =	ssyncset.done $0x0  }
0xf: {  	s17 =	simm.s32 $0x10040;
	[sflag:s10] =	ssyncadd.s32 $0xFFFFFF80  }
0x10: {  	v4 =	vld [tilespmem:$0x18900];
	[tilespmem:s17+$0xFFFFFFC0] =	vst v0  }
0x11: {  	[tilespmem:s17+$0x30] =	vst v0  }
0x12: {  	[tilespmem:s17+$0x20] =	vst v0  }
0x13: {  	[tilespmem:s17+$0x10] =	vst v0  }
0x14: {  	[tilespmem:s17+$0x0] =	vst v0  }
0x15: {  	[tilespmem:s17+$0xFFFFFFF0] =	vst v0  }
0x16: {  	s18 =	simm.s32 $0x0;
	[tilespmem:s17+$0xFFFFFFE0] =	vst v0  }
.LBB2_2:
0x17: {  	s18 =	sadd.s32 $0x8, s18;
	[tilespmem:s17+$0xFFFFFFD0] =	vst v0;
	s17 =	sadd.s32 $0x80, s17  }
0x18: {  	[tilespmem:s17+$0xFFFFFFC0] =	vst v0;
	p0 =	slt.u32 s18, $0x808  }
0x19: {  	[tilespmem:s17+$0x30] =	vst v0  }
.Ltmp0:
0x1a: {  	[tilespmem:s17+$0x20] =	vst v0;
	(pc) =	sbr.rel @p0 .LBB2_2-.Ltmp0, $4  }
0x1b: {  	[tilespmem:s17+$0x10] =	vst v0  }
0x1c: {  	[tilespmem:s17+$0x0] =	vst v0  }
0x1d: {  	[tilespmem:s17+$0xFFFFFFF0] =	vst v0  }
0x1e: {  	[tilespmem:s17+$0xFFFFFFE0] =	vst v0  }
0x1f: {  	[tilespmem:s17+$0xFFFFFFD0] =	vst v0;
	s17 =	simm.s32 $0x0;
	s18 =	simm.s32 $0x0  }
0x20: {  	[tilespmem:s17], [sflag:$0x1] =	stream.linear.gather [hbm4b:s4+s17], $0x8000, $0x38;
	[tilespmem:$0x18980] =	vst v63  }
.LBB2_4:
0x21: {  	s19 =	sshll.u32 s18, $0xD  }
0x22: {  	s20 =	sadd.s32 s8, s19  }
0x23: {  	[tilespmem:s11], [sflag:$0x2] =	stream.linear.gather [hbm4b:s20+s17], $0x8000, $0x38;
	[tilespmem:$0x18980] =	vst v63  }
0x24: {  	_ =	swait.ge [sflag:s12], $0x8000  }
0x25: {  	s0 =	sand.u32 $0x40, s17;
	s21 =	sand.u32 $0x7C00, s17;
	[sflag:s12] =	ssyncset.done $0x0  }
0x26: {  	s22 =	sor.u32 s0, s21;
	[sflag:s12] =	ssyncadd.s32 $0xFFFF8000  }
0x27: {  	v5 =	vld [tilespmem:s22+$0x120]  }
0x28: {  	v6 =	vld [tilespmem:s22+$0xA0]  }
0x29: {  	v7 =	vld [tilespmem:s22+$0x90]  }
0x2a: {  	v8 =	vld [tilespmem:s22+$0xB0]  }
0x2b: {  	v9 =	vld [tilespmem:s22+$0x10]  }
0x2c: {  	v10 =	vld [tilespmem:s22+$0x30]  }
0x2d: {  	p0 =	por $0x0, $0x0;
	s20 =	simm.s32 $0x1;
	v11 =	vld [tilespmem:s22+$0x20]  }
0x2e: {  	s20 =	simm.s32 @!p0 $0x0;
	v12 =	vld [tilespmem:s22+$0x110]  }
0x2f: {  	s20 =	sshll.u32 s20, $0x6;
	v13 =	vld [tilespmem:s22+$0x0]  }
0x30: {  	s21 =	sadd.s32 $0x0, s20;
	v15 =	vld [tilespmem:s22+$0x100]  }
0x31: {  	s20 =	sadd.s32 $0x10, s21;
	v20 =	vld [tilespmem:s22+$0x1A0]  }
0x32: {  	v22 =	vld [tilespmem:s22+$0x1B0];
	s23 =	sor.u32 $0x380, s20;
	v9 =	vmul.f32 v9, v4;
	v17 =	vmul.f32 v10, v4  }
0x33: {  	s28 =	sor.u32 $0x280, s20;
	v14 =	vld [tilespmem:s23+$0x0];
	v18 =	vmul.f32 v11, v4;
	v10 =	vmul.f32 v5, v4  }
0x34: {  	s29 =	sor.u32 $0x200, s20;
	v27 =	vld [tilespmem:s28+$0x0];
	v7 =	vmul.f32 v7, v4;
	v11 =	vmul.f32 v12, v4  }
0x35: {  	s20 =	sor.u32 $0x300, s20;
	v29 =	vld [tilespmem:s29+$0x0];
	v12 =	vmul.f32 v13, v4;
	v6 =	vmul.f32 v6, v4  }
0x36: {  	v35 =	vld [tilespmem:s20+$0x0];
	v8 =	vmul.f32 v8, v4;
	v15 =	vmul.f32 v15, v4  }
0x37: {  	v20 =	vmul.f32 v20, v4;
	v22 =	vmul.f32 v22, v4  }
0x38: {  	v9 =	vand.u32 $0x7FFFFFFF, v9;
	v14 =	vmul.f32 v14, v4;
	v7 =	vand.u32 $0x7FFFFFFF, v7  }
0x39: {  	s1 =	sadd.s32 $0x30, s21;
	v8 =	vand.u32 $0x7FFFFFFF, v8;
	v11 =	vand.u32 $0x7FFFFFFF, v11;
	v18 =	vand.u32 $0x7FFFFFFF, v18  }
0x3a: {  	v16 =	vld [tilespmem:s22+$0x80];
	s25 =	sor.u32 $0x380, s1;
	v27 =	vmul.f32 v27, v4;
	v29 =	vmul.f32 v29, v4;
	v17 =	vand.u32 $0x7FFFFFFF, v17  }
0x3b: {  	v24 =	vld [tilespmem:s25+$0x0];
	v35 =	vmul.f32 v35, v4;
	v5 =	vadd.f32 $8.388607500e+06, v9;
	v7 =	vadd.f32 $8.388607500e+06, v7  }
0x3c: {  	v13 =	vld [tilespmem:s22+$0x180];
	v8 =	vadd.f32 $8.388607500e+06, v8;
	v28 =	vadd.f32 $8.388607500e+06, v11;
	v11 =	vand.u32 $0x7FFFFFFF, v20  }
0x3d: {  	v18 =	vadd.f32 $8.388607500e+06, v18;
	v17 =	vadd.f32 $8.388607500e+06, v17;
	v5 =	vmin.f32 v5, $8.390655000e+06  }
0x3e: {  	v30 =	vadd.f32 $8.388607500e+06, v11;
	v19 =	vadd.s32 v1, v5;
	v5 =	vand.u32 $0x7FFFFFFF, v12  }
0x3f: {  	v12 =	vmul.f32 v16, v4;
	v16 =	vand.u32 $0x7FFFFFFF, v6;
	v6 =	vand.u32 $0x7FFFFFFF, v15;
	v15 =	vld [tilespmem:s22+$0x190]  }
0x40: {  	v24 =	vmul.f32 v24, v4;
	v9 =	vld [tilespmem:s22+$0x130];
	v5 =	vadd.f32 $8.388607500e+06, v5;
	v6 =	vadd.f32 $8.388607500e+06, v6  }
0x41: {  	v29 =	vand.u32 $0x7FFFFFFF, v29;
	v13 =	vmul.f32 v13, v4;
	v7 =	vmin.f32 v7, $8.390655000e+06  }
0x42: {  	v12 =	vand.u32 $0x7FFFFFFF, v12;
	v6 =	vmin.f32 v6, $8.390655000e+06;
	v21 =	vmin.f32 v5, $8.390655000e+06  }
0x43: {  	s9 =	sor.u32 $0x200, s1;
	v5 =	vadd.s32 v1, v6;
	v6 =	vand.u32 $0x7FFFFFFF, v10;
	v10 =	vand.u32 $0x7FFFFFFF, v13  }
0x44: {  	s24 =	sadd.s32 $0x20, s21;
	s31 =	sor.u32 $0x380, s21;
	v23 =	vld [tilespmem:s9+$0x0];
	v13 =	vadd.s32 v1, v7;
	v7 =	vadd.f32 $8.388607500e+06, v12;
	v12 =	vmul.f32 v15, v4  }
0x45: {  	s26 =	sor.u32 $0x380, s24;
	v31 =	vld [tilespmem:s31+$0x0];
	v14 =	vand.u32 $0x7FFFFFFF, v14;
	v8 =	vmin.f32 v8, $8.390655000e+06;
	v9 =	vmul.f32 v9, v4  }
0x46: {  	s15 =	sor.u32 $0x280, s1;
	v25 =	vld [tilespmem:s26+$0x0];
	s9 =	sor.u32 $0x300, s24;
	v28 =	vmin.f32 v28, $8.390655000e+06;
	v18 =	vmin.f32 v18, $8.390655000e+06;
	v12 =	vand.u32 $0x7FFFFFFF, v12  }
0x47: {  	v32 =	vld [tilespmem:s9+$0x0];
	v17 =	vmin.f32 v17, $8.390655000e+06;
	v9 =	vand.u32 $0x7FFFFFFF, v9;
	v12 =	vadd.f32 $8.388607500e+06, v12  }
0x48: {  	s30 =	sor.u32 $0x200, s21;
	v10 =	vadd.f32 $8.388607500e+06, v10;
	v15 =	vld [tilespmem:s15+$0x0];
	v6 =	vadd.f32 $8.388607500e+06, v6;
	v7 =	vmin.f32 v7, $8.390655000e+06  }
0x49: {  	s22 =	sor.u32 $0x280, s24;
	v20 =	vadd.s32 v1, v7;
	v7 =	vmin.f32 v12, $8.390655000e+06;
	v12 =	vmul.f32 v23, v4;
	v23 =	vld [tilespmem:s30+$0x0]  }
0x4a: {  	v14 =	vadd.f32 $8.388607500e+06, v14;
	v36 =	vld [tilespmem:s22+$0x0];
	v21 =	vadd.s32 v1, v21;
	v9 =	vadd.f32 $8.388607500e+06, v9;
	s15 =	sor.u32 $0x300, s21  }
0x4b: {  	s0 =	sor.u32 $0x300, s1;
	v33 =	vadd.s32 v1, v8;
	v34 =	vld [tilespmem:s15+$0x0];
	v10 =	vmin.f32 v10, $8.390655000e+06;
	v26 =	vmin.f32 v6, $8.390655000e+06  }
0x4c: {  	s1 =	sor.u32 $0x200, s24;
	v9 =	vmin.f32 v9, $8.390655000e+06;
	v6 =	vadd.s32 v1, v10;
	v11 =	vadd.s32 v1, v26;
	v26 =	vld [tilespmem:s0+$0x0]  }
0x4d: {  	s21 =	sor.u32 $0x280, s21;
	v10 =	vadd.s32 v1, v9;
	v9 =	vmin.f32 v30, $8.390655000e+06;
	v30 =	vld [tilespmem:s1+$0x0];
	v15 =	vmul.f32 v15, v4  }
0x4e: {  	s23 =	simm.s32 $0x40;
	s24 =	simm.s32 $0x200;
	v18 =	vadd.s32 v1, v18;
	v8 =	vmul.f32 v23, v4;
	v23 =	vand.u32 $0x7FFFFFFF, v27;
	v27 =	vld [tilespmem:s21+$0x0]  }
0x4f: {  	s20 =	sand.u32 $0x40, s23;
	v28 =	vadd.s32 v1, v28;
	v16 =	vadd.f32 $8.388607500e+06, v16;
	v15 =	vand.u32 $0x7FFFFFFF, v15;
	s21 =	sand.u32 $0x7C00, s24;
	[tilespmem:v21+s13+$0x0] =	vst.idx.add.f32.msk $0xffff, v2  }
0x50: {  	v14 =	vmin.f32 v14, $8.390655000e+06;
	v12 =	vand.u32 $0x7FFFFFFF, v12;
	v15 =	vadd.f32 $8.388607500e+06, v15;
	s25 =	sor.u32 s20, s21;
	[tilespmem:v19+s13+$0x0] =	vst.idx.add.f32.msk $0xffff, v2  }
0x51: {  	v16 =	vmin.f32 v16, $8.390655000e+06;
	v12 =	vadd.f32 $8.388607500e+06, v12;
	v21 =	vadd.f32 $8.388607500e+06, v29;
	v29 =	vld [tilespmem:s25+$0x120]  }
0x52: {  	v16 =	vadd.s32 v1, v16;
	v42 =	vmul.f32 v36, v4;
	v9 =	vadd.s32 v1, v9;
	v37 =	vld [tilespmem:s25+$0x180]  }
0x53: {  	v7 =	vadd.s32 v1, v7;
	v15 =	vmin.f32 v15, $8.390655000e+06;
	v19 =	vmin.f32 v12, $8.390655000e+06;
	[tilespmem:v18+s13+$0x0] =	vst.idx.add.f32.msk $0xffff, v2  }
0x54: {  	v12 =	vadd.s32 v1, v17;
	v8 =	vand.u32 $0x7FFFFFFF, v8;
	v21 =	vmin.f32 v21, $8.390655000e+06;
	v62 =	vld [tilespmem:s25+$0x90]  }
0x55: {  	p0 =	por !p0, !p0;
	v23 =	vadd.f32 $8.388607500e+06, v23;
	s20 =	simm.s32 $0x1;
	v18 =	vand.u32 $0x7FFFFFFF, v22;
	v63 =	vld [tilespmem:s25+$0xB0];
	v8 =	vadd.f32 $8.388607500e+06, v8  }
0x56: {  	s20 =	simm.s32 @!p0 $0x0;
	v22 =	vmul.f32 v25, v4;
	v25 =	vand.u32 $0x7FFFFFFF, v35;
	v44 =	vadd.s32 v1, v19;
	v39 =	vld [tilespmem:s25+$0x10]  }
0x57: {  	v48 =	vld [tilespmem:s25+$0x1B0];
	s20 =	sshll.u32 s20, $0x6;
	v18 =	vadd.f32 $8.388607500e+06, v18;
	v17 =	vmin.f32 v8, $8.390655000e+06;
	v8 =	vmin.f32 v23, $8.390655000e+06  }
0x58: {  	v25 =	vadd.f32 $8.388607500e+06, v25;
	v21 =	vadd.s32 v1, v21;
	s20 =	sadd.s32 $0x200, s20;
	v23 =	vld [tilespmem:s25+$0xA0];
	v8 =	vadd.s32 v1, v8  }
0x59: {  	v22 =	vand.u32 $0x7FFFFFFF, v22;
	s21 =	sadd.s32 $0x10, s20;
	v38 =	vadd.s32 v1, v17;
	v17 =	vmul.f32 v34, v4;
	[tilespmem:v12+s13+$0x0] =	vst.idx.add.f32.msk $0xffff, v2  }
0x5a: {  	v12 =	vadd.s32 v1, v15;
	v15 =	vadd.f32 $8.388607500e+06, v22;
	v22 =	vmul.f32 v27, v4;
	s26 =	sor.u32 $0x380, s21;
	[tilespmem:v20+s13+$0x0] =	vst.idx.add.f32.msk $0xffff, v2  }
0x5b: {  	v27 =	vmul.f32 v32, v4;
	s31 =	sor.u32 $0x200, s21;
	v20 =	vmin.f32 v25, $8.390655000e+06;
	v25 =	vmul.f32 v30, v4;
	v30 =	vld [tilespmem:s26+$0x0]  }
0x5c: {  	v29 =	vmul.f32 v29, v4;
	v47 =	vmul.f32 v63, v4;
	v53 =	vld [tilespmem:s31+$0x0];
	v17 =	vand.u32 $0x7FFFFFFF, v17  }
0x5d: {  	[tilespmem:v13+s13+$0x0] =	vst.idx.add.f32.msk $0xffff, v2;
	v13 =	vand.u32 $0x7FFFFFFF, v27;
	v27 =	vmul.f32 v31, v4;
	v15 =	vmin.f32 v15, $8.390655000e+06  }
0x5e: {  	v31 =	vld [tilespmem:s25+$0x110];
	v17 =	vadd.f32 $8.388607500e+06, v17;
	v13 =	vadd.f32 $8.388607500e+06, v13;
	v34 =	vand.u32 $0x7FFFFFFF, v47  }
0x5f: {  	[tilespmem:v16+s13+$0x0] =	vst.idx.add.f32.msk $0xffff, v2;
	v29 =	vand.u32 $0x7FFFFFFF, v29;
	v15 =	vadd.s32 v1, v15;
	v23 =	vmul.f32 v23, v4  }
0x60: {  	[tilespmem:v33+s13+$0x0] =	vst.idx.add.f32.msk $0xffff, v2;
	v43 =	vmin.f32 v17, $8.390655000e+06;
	v17 =	vand.u32 $0x7FFFFFFF, v22;
	v22 =	vmul.f32 v26, v4  }
0x61: {  	v26 =	vand.u32 $0x7FFFFFFF, v24;
	v24 =	vadd.s32 v1, v14;
	v13 =	vmin.f32 v13, $8.390655000e+06;
	[tilespmem:v5+s13+$0x0] =	vst.idx.add.f32.msk $0xffff, v2  }
0x62: {  	v5 =	vmin.f32 v18, $8.390655000e+06;
	v17 =	vadd.f32 $8.388607500e+06, v17;
	[tilespmem:v28+s13+$0x0] =	vst.idx.add.f32.msk $0xffff, v2;
	v28 =	vadd.s32 v1, v43  }
0x63: {  	v18 =	vld [tilespmem:s25+$0x20];
	v5 =	vadd.s32 v1, v5;
	v30 =	vmul.f32 v30, v4;
	v23 =	vand.u32 $0x7FFFFFFF, v23  }
0x64: {  	v33 =	vmul.f32 v53, v4;
	v16 =	vand.u32 $0x7FFFFFFF, v22;
	v22 =	vand.u32 $0x7FFFFFFF, v27;
	v27 =	vld [tilespmem:s25+$0x30]  }
0x65: {  	v26 =	vadd.f32 $8.388607500e+06, v26;
	[tilespmem:v11+s13+$0x0] =	vst.idx.add.f32.msk $0xffff, v2;
	v31 =	vmul.f32 v31, v4;
	v57 =	vadd.f32 $8.388607500e+06, v23  }
0x66: {  	v11 =	vld [tilespmem:s25+$0x100];
	v16 =	vadd.f32 $8.388607500e+06, v16;
	v22 =	vadd.f32 $8.388607500e+06, v22;
	v14 =	vmin.f32 v17, $8.390655000e+06  }
0x67: {  	[tilespmem:v10+s13+$0x0] =	vst.idx.add.f32.msk $0xffff, v2;
	v33 =	vand.u32 $0x7FFFFFFF, v33;
	v30 =	vand.u32 $0x7FFFFFFF, v30;
	v46 =	vadd.s32 v1, v14  }
0x68: {  	v10 =	vld [tilespmem:s25+$0x80];
	v31 =	vand.u32 $0x7FFFFFFF, v31;
	v33 =	vadd.f32 $8.388607500e+06, v33;
	v40 =	vadd.f32 $8.388607500e+06, v30  }
0x69: {  	[tilespmem:v6+s13+$0x0] =	vst.idx.add.f32.msk $0xffff, v2;
	v16 =	vmin.f32 v16, $8.390655000e+06;
	v19 =	vmin.f32 v22, $8.390655000e+06;
	v22 =	vand.u32 $0x7FFFFFFF, v25  }
0x6a: {  	v6 =	vld [tilespmem:s25+$0x130];
	v25 =	vand.u32 $0x7FFFFFFF, v42;
	v18 =	vmul.f32 v18, v4;
	v31 =	vadd.f32 $8.388607500e+06, v31  }
0x6b: {  	[tilespmem:v7+s13+$0x0] =	vst.idx.add.f32.msk $0xffff, v2;
	v17 =	vadd.s32 v1, v16;
	v16 =	vadd.s32 v1, v19;
	v22 =	vadd.f32 $8.388607500e+06, v22  }
0x6c: {  	v19 =	vadd.s32 v1, v13;
	v25 =	vadd.f32 $8.388607500e+06, v25;
	[tilespmem:v9+s13+$0x0] =	vst.idx.add.f32.msk $0xffff, v2;
	v13 =	vmul.f32 v27, v4  }
0x6d: {  	v9 =	vld [tilespmem:s25+$0x190];
	v11 =	vmul.f32 v11, v4;
	v23 =	vmin.f32 v31, $8.390655000e+06;
	v31 =	vmin.f32 v57, $8.390655000e+06  }
0x6e: {  	v27 =	vld [tilespmem:s25+$0x0];
	v60 =	vand.u32 $0x7FFFFFFF, v18;
	v45 =	vmin.f32 v22, $8.390655000e+06;
	v22 =	vadd.s32 v1, v20  }
0x6f: {  	v49 =	vld [tilespmem:s25+$0x1A0];
	v20 =	vmul.f32 v39, v4;
	v25 =	vmin.f32 v25, $8.390655000e+06;
	v10 =	vmul.f32 v10, v4  }
0x70: {  	[tilespmem:v5+s13+$0x0] =	vst.idx.add.f32.msk $0xffff, v2;
	v0 =	vadd.s32 v1, v45;
	v25 =	vadd.s32 v1, v25;
	v11 =	vand.u32 $0x7FFFFFFF, v11  }
0x71: {  	s23 =	sadd.s32 $0x30, s20;
	[tilespmem:v38+s13+$0x0] =	vst.idx.add.f32.msk $0xffff, v2;
	v6 =	vmul.f32 v6, v4;
	v14 =	vand.u32 $0x7FFFFFFF, v20;
	v20 =	vmul.f32 v62, v4  }
0x72: {  	s9 =	sadd.s32 $0x20, s20;
	s29 =	sor.u32 $0x280, s23;
	[tilespmem:v21+s13+$0x0] =	vst.idx.add.f32.msk $0xffff, v2;
	v11 =	vadd.f32 $8.388607500e+06, v11;
	v10 =	vand.u32 $0x7FFFFFFF, v10;
	v14 =	vadd.f32 $8.388607500e+06, v14  }
0x73: {  	s0 =	sor.u32 $0x200, s20;
	s26 =	sor.u32 $0x200, s9;
	v21 =	vld [tilespmem:s29+$0x0];
	v6 =	vand.u32 $0x7FFFFFFF, v6;
	v9 =	vmul.f32 v9, v4;
	v27 =	vmul.f32 v27, v4  }
0x74: {  	v62 =	vld [tilespmem:s26+$0x0];
	v7 =	vand.u32 $0x7FFFFFFF, v20;
	v5 =	vmin.f32 v11, $8.390655000e+06;
	v6 =	vadd.f32 $8.388607500e+06, v6  }
0x75: {  	s28 =	sor.u32 $0x200, s23;
	v54 =	vld [tilespmem:s0+$0x0];
	v14 =	vmin.f32 v14, $8.390655000e+06;
	v7 =	vadd.f32 $8.388607500e+06, v7;
	v56 =	vadd.s32 v1, v5  }
0x76: {  	v11 =	vld [tilespmem:s28+$0x0];
	v9 =	vand.u32 $0x7FFFFFFF, v9;
	v20 =	vadd.s32 v1, v14;
	v14 =	vand.u32 $0x7FFFFFFF, v27  }
0x77: {  	s1 =	sor.u32 $0x380, s23;
	v27 =	vmul.f32 v37, v4;
	v51 =	vmin.f32 v6, $8.390655000e+06;
	[tilespmem:v0+s13+$0x0] =	vst.idx.add.f32.msk $0xffff, v2;
	v0 =	vadd.f32 $8.388607500e+06, v34  }
0x78: {  	v41 =	vld [tilespmem:s1+$0x0];
	v9 =	vadd.f32 $8.388607500e+06, v9;
	v21 =	vmul.f32 v21, v4;
	v14 =	vadd.f32 $8.388607500e+06, v14  }
0x79: {  	s30 =	sor.u32 $0x280, s21;
	v7 =	vmin.f32 v7, $8.390655000e+06;
	[tilespmem:v44+s13+$0x0] =	vst.idx.add.f32.msk $0xffff, v2;
	v35 =	vmul.f32 v62, v4;
	v50 =	vand.u32 $0x7FFFFFFF, v27  }
0x7a: {  	v32 =	vadd.s32 v1, v7;
	v7 =	vadd.f32 $8.388607500e+06, v10;
	v10 =	vadd.f32 $8.388607500e+06, v29;
	v29 =	vld [tilespmem:s30+$0x0]  }
0x7b: {  	v0 =	vmin.f32 v0, $8.390655000e+06;
	[tilespmem:v46+s13+$0x0] =	vst.idx.add.f32.msk $0xffff, v2;
	v55 =	vmin.f32 v9, $8.390655000e+06;
	v21 =	vand.u32 $0x7FFFFFFF, v21  }
0x7c: {  	s25 =	sor.u32 $0x300, s20;
	v14 =	vmin.f32 v14, $8.390655000e+06;
	v11 =	vmul.f32 v11, v4;
	[tilespmem:v8+s13+$0x0] =	vst.idx.add.f32.msk $0xffff, v2;
	v8 =	vadd.s32 v1, v55  }
0x7d: {  	v18 =	vadd.s32 v1, v0;
	v0 =	vld [tilespmem:s25+$0x0];
	v61 =	vadd.f32 $8.388607500e+06, v21;
	v21 =	vadd.s32 v1, v31  }
0x7e: {  	s15 =	sor.u32 $0x380, s9;
	v27 =	vadd.s32 v1, v14;
	v14 =	vadd.f32 $8.388607500e+06, v50;
	v10 =	vmin.f32 v10, $8.390655000e+06;
	[tilespmem:v25+s13+$0x0] =	vst.idx.add.f32.msk $0xffff, v2  }
0x7f: {  	v7 =	vmin.f32 v7, $8.390655000e+06;
	v25 =	vld [tilespmem:s15+$0x0];
	v9 =	vadd.s32 v1, v10;
	v10 =	vadd.s32 v1, v51  }
0x80: {  	v59 =	vand.u32 $0x7FFFFFFF, v11;
	[tilespmem:v12+s13+$0x0] =	vst.idx.add.f32.msk $0xffff, v2;
	v12 =	vmul.f32 v54, v4;
	v34 =	vmin.f32 v61, $8.390655000e+06  }
0x81: {  	v52 =	vmin.f32 v14, $8.390655000e+06;
	v14 =	vmul.f32 v49, v4;
	[tilespmem:v28+s13+$0x0] =	vst.idx.add.f32.msk $0xffff, v2;
	v31 =	vadd.f32 $8.388607500e+06, v59  }
0x82: {  	s21 =	sor.u32 $0x300, s21;
	v29 =	vmul.f32 v29, v4;
	v12 =	vand.u32 $0x7FFFFFFF, v12;
	[tilespmem:v22+s13+$0x0] =	vst.idx.add.f32.msk $0xffff, v2;
	v22 =	vadd.f32 $8.388607500e+06, v60  }
0x83: {  	s28 =	sor.u32 $0x280, s20;
	v28 =	vld [tilespmem:s21+$0x0];
	v37 =	vand.u32 $0x7FFFFFFF, v14;
	v14 =	vadd.s32 v1, v7;
	v7 =	vadd.s32 v1, v52  }
0x84: {  	v63 =	vld [tilespmem:s28+$0x0];
	v12 =	vadd.f32 $8.388607500e+06, v12;
	v42 =	vmin.f32 v31, $8.390655000e+06;
	v29 =	vand.u32 $0x7FFFFFFF, v29  }
0x85: {  	[tilespmem:v19+s13+$0x0] =	vst.idx.add.f32.msk $0xffff, v2;
	v31 =	vmin.f32 v33, $8.390655000e+06;
	v37 =	vadd.f32 $8.388607500e+06, v37;
	v29 =	vadd.f32 $8.388607500e+06, v29  }
0x86: {  	v38 =	vmin.f32 v22, $8.390655000e+06;
	[tilespmem:v17+s13+$0x0] =	vst.idx.add.f32.msk $0xffff, v2;
	v17 =	vmul.f32 v0, v4;
	v25 =	vmul.f32 v25, v4  }
0x87: {  	v30 =	vmin.f32 v12, $8.390655000e+06;
	[tilespmem:v16+s13+$0x0] =	vst.idx.add.f32.msk $0xffff, v2;
	v12 =	vmin.f32 v29, $8.390655000e+06;
	v29 =	vmul.f32 v48, v4  }
0x88: {  	s29 =	sor.u32 $0x280, s9;
	v58 =	vmin.f32 v37, $8.390655000e+06;
	v22 =	vmul.f32 v28, v4;
	v19 =	vadd.s32 v1, v30;
	[tilespmem:v24+s13+$0x0] =	vst.idx.add.f32.msk $0xffff, v2  }
0x89: {  	v16 =	vand.u32 $0x7FFFFFFF, v17;
	v17 =	vand.u32 $0x7FFFFFFF, v25;
	v28 =	vand.u32 $0x7FFFFFFF, v29;
	v29 =	vld [tilespmem:s29+$0x0]  }
0x8a: {  	s30 =	sor.u32 $0x300, s23;
	v30 =	vmul.f32 v63, v4;
	v24 =	vmul.f32 v41, v4;
	v11 =	vadd.s32 v1, v58  }
0x8b: {  	v25 =	vld [tilespmem:s30+$0x0];
	v0 =	vadd.f32 $8.388607500e+06, v16;
	v39 =	vadd.f32 $8.388607500e+06, v28;
	v28 =	vand.u32 $0x7FFFFFFF, v22  }
0x8c: {  	s20 =	sor.u32 $0x380, s20;
	v16 =	vadd.f32 $8.388607500e+06, v17;
	v17 =	vadd.s32 v1, v34;
	[tilespmem:v15+s13+$0x0] =	vst.idx.add.f32.msk $0xffff, v2;
	v28 =	vadd.f32 $8.388607500e+06, v28  }
0x8d: {  	s31 =	sor.u32 $0x300, s9;
	v12 =	vadd.s32 v1, v12;
	v15 =	vand.u32 $0x7FFFFFFF, v24;
	v24 =	vadd.s32 v1, v42;
	v22 =	vld [tilespmem:s20+$0x0]  }
0x8e: {  	p0 =	por !p0, !p0;
	s23 =	simm.s32 $0x80;
	v36 =	vmin.f32 v0, $8.390655000e+06;
	s20 =	simm.s32 $0x400;
	v37 =	vmin.f32 v28, $8.390655000e+06;
	v41 =	vmul.f32 v29, v4;
	v29 =	vld [tilespmem:s31+$0x0]  }
.LBB2_5:
0x8f: {  	s22 =	sand.u32 $0x40, s23;
	s24 =	sand.u32 $0x7C00, s20;
	[tilespmem:v27+s13+$0x0] =	vst.idx.add.f32.msk $0xffff, v2  }
0x90: {  	s22 =	sor.u32 s22, s24;
	[tilespmem:v20+s13+$0x0] =	vst.idx.add.f32.msk $0xffff, v2  }
0x91: {  	s21 =	simm.s32 $0x1;
	v42 =	vld [tilespmem:s22+$0x120]  }
0x92: {  	s25 =	smov.u32 s23;
	s21 =	simm.s32 @!p0 $0x0;
	v28 =	vand.u32 $0x7FFFFFFF, v30;
	v30 =	vld [tilespmem:s22+$0x1B0]  }
0x93: {  	v20 =	vmin.f32 v26, $8.390655000e+06;
	s25 =	sshll.u32 s21, $0x6;
	v46 =	vld [tilespmem:s22+$0xA0]  }
0x94: {  	v20 =	vadd.s32 v1, v20;
	v48 =	vld [tilespmem:s22+$0x180];
	s24 =	sadd.s32 s25, s20  }
0x95: {  	v29 =	vmul.f32 v29, v4;
	v27 =	vadd.f32 $8.388607500e+06, v28;
	v49 =	vld [tilespmem:s22+$0x90];
	s29 =	sadd.s32 $0x30, s24  }
0x96: {  	v28 =	vmin.f32 v40, $8.390655000e+06;
	v50 =	vld [tilespmem:s22+$0x130];
	s9 =	sor.u32 $0x200, s29  }
0x97: {  	v0 =	vadd.s32 v1, v28;
	v28 =	vand.u32 $0x7FFFFFFF, v29;
	s26 =	sor.u32 $0x380, s29;
	v40 =	vld [tilespmem:s9+$0x0]  }
0x98: {  	s31 =	sadd.s32 $0x20, s24;
	v29 =	vadd.f32 $8.388607500e+06, v28;
	v28 =	vld [tilespmem:s26+$0x0]  }
0x99: {  	s15 =	sor.u32 $0x380, s31;
	[tilespmem:v20+s13+$0x0] =	vst.idx.add.f32.msk $0xffff, v2  }
0x9a: {  	p1 =	sne.s32 s23, $0xFC0;
	s21 =	sadd.s32 $0x40, s23;
	s23 =	sadd.s32 $0x10, s24;
	v26 =	vld [tilespmem:s15+$0x0]  }
0x9b: {  	s0 =	sor.u32 $0x380, s23;
	v20 =	vld [tilespmem:s22+$0xB0]  }
0x9c: {  	v51 =	vld [tilespmem:s0+$0x0]  }
0x9d: {  	v25 =	vmul.f32 v25, v4;
	v22 =	vmul.f32 v22, v4;
	v52 =	vld [tilespmem:s22+$0x110]  }
0x9e: {  	v43 =	vld [tilespmem:s22+$0x30]  }
0x9f: {  	v25 =	vand.u32 $0x7FFFFFFF, v25;
	v22 =	vand.u32 $0x7FFFFFFF, v22;
	v53 =	vld [tilespmem:s22+$0x80]  }
0xa0: {  	v25 =	vadd.f32 $8.388607500e+06, v25;
	v22 =	vadd.f32 $8.388607500e+06, v22;
	v54 =	vld [tilespmem:s22+$0x100]  }
0xa1: {  	v44 =	vld [tilespmem:s22+$0x10]  }
0xa2: {  	s1 =	sor.u32 $0x380, s24;
	v25 =	vmin.f32 v25, $8.390655000e+06;
	v22 =	vmin.f32 v22, $8.390655000e+06;
	v29 =	vmin.f32 v29, $8.390655000e+06;
	v55 =	vld [tilespmem:s22+$0x20]  }
0xa3: {  	s9 =	sor.u32 $0x300, s29;
	v34 =	vadd.s32 v1, v25;
	v33 =	vadd.s32 v1, v22;
	v25 =	vand.u32 $0x7FFFFFFF, v35;
	v22 =	vld [tilespmem:s1+$0x0]  }
0xa4: {  	v35 =	vadd.s32 v1, v29;
	v29 =	vadd.f32 $8.388607500e+06, v25;
	v25 =	vld [tilespmem:s9+$0x0]  }
0xa5: {  	s30 =	sor.u32 $0x280, s29;
	v58 =	vld [tilespmem:s22+$0x0]  }
0xa6: {  	s26 =	sor.u32 $0x200, s24;
	v59 =	vld [tilespmem:s30+$0x0]  }
0xa7: {  	v13 =	vand.u32 $0x7FFFFFFF, v13;
	v45 =	vmin.f32 v39, $8.390655000e+06;
	s29 =	sor.u32 $0x200, s23;
	v3 =	vld [tilespmem:s26+$0x0]  }
0xa8: {  	v57 =	vadd.s32 v1, v38;
	v39 =	vadd.s32 v1, v36;
	v13 =	vadd.f32 $8.388607500e+06, v13;
	[tilespmem:$0x1FFE0] =	vst v0;
	v0 =	vld [tilespmem:s29+$0x0]  }
0xa9: {  	v38 =	vadd.s32 v1, v31;
	v37 =	vadd.s32 v1, v37;
	v62 =	vand.u32 $0x7FFFFFFF, v41;
	s0 =	sor.u32 $0x200, s31;
	v5 =	vld [tilespmem:s22+$0x1A0]  }
0xaa: {  	v47 =	vadd.s32 v1, v45;
	v41 =	vadd.f32 $8.388607500e+06, v62;
	v13 =	vmin.f32 v13, $8.390655000e+06;
	s15 =	sor.u32 $0x300, s23;
	v36 =	vld [tilespmem:s0+$0x0]  }
0xab: {  	v27 =	vmin.f32 v27, $8.390655000e+06;
	s28 =	sor.u32 $0x300, s31;
	v61 =	vmul.f32 v46, v4;
	s31 =	sor.u32 $0x280, s31;
	v46 =	vld [tilespmem:s15+$0x0];
	v63 =	vmul.f32 v44, v4  }
0xac: {  	v6 =	vmovc v56;
	v56 =	vadd.s32 v1, v13;
	v60 =	vmul.f32 v42, v4;
	v29 =	vmin.f32 v29, $8.390655000e+06;
	v42 =	vld [tilespmem:s31+$0x0]  }
0xad: {  	s25 =	sor.u32 $0x280, s24;
	v31 =	vadd.s32 v1, v27;
	s24 =	sor.u32 $0x300, s24;
	v45 =	vadd.s32 v1, v29;
	v29 =	vld [tilespmem:s28+$0x0];
	v27 =	vand.u32 $0x7FFFFFFF, v63  }
0xae: {  	v41 =	vmin.f32 v41, $8.390655000e+06;
	v13 =	vmul.f32 v43, v4;
	v43 =	vld [tilespmem:s24+$0x0];
	v27 =	vadd.f32 $8.388607500e+06, v27  }
0xaf: {  	s30 =	sor.u32 $0x280, s23;
	v44 =	vadd.s32 v1, v41;
	v41 =	vld [tilespmem:s25+$0x0];
	v58 =	vmul.f32 v58, v4;
	v62 =	vmul.f32 v20, v4  }
0xb0: {  	v49 =	vmul.f32 v49, v4;
	v50 =	vmul.f32 v50, v4;
	v63 =	vld [tilespmem:s30+$0x0];
	v27 =	vmin.f32 v27, $8.390655000e+06  }
0xb1: {  	v20 =	vadd.s32 v1, v27;
	v27 =	vand.u32 $0x7FFFFFFF, v58;
	v58 =	vand.u32 $0x7FFFFFFF, v62;
	v62 =	vld [tilespmem:s22+$0x190]  }
0xb2: {  	v23 =	vadd.s32 v1, v23;
	v48 =	vmul.f32 v48, v4;
	v49 =	vand.u32 $0x7FFFFFFF, v49;
	[tilespmem:v57+s13+$0x0] =	vst.idx.add.f32.msk $0xffff, v2  }
0xb3: {  	v61 =	vand.u32 $0x7FFFFFFF, v61;
	v50 =	vand.u32 $0x7FFFFFFF, v50;
	v60 =	vand.u32 $0x7FFFFFFF, v60;
	[tilespmem:v56+s13+$0x0] =	vst.idx.add.f32.msk $0xffff, v2  }
0xb4: {  	v48 =	vand.u32 $0x7FFFFFFF, v48;
	v49 =	vadd.f32 $8.388607500e+06, v49;
	v50 =	vadd.f32 $8.388607500e+06, v50;
	[tilespmem:v14+s13+$0x0] =	vst.idx.add.f32.msk $0xffff, v2  }
0xb5: {  	v48 =	vadd.f32 $8.388607500e+06, v48;
	v40 =	vmul.f32 v40, v4;
	v55 =	vmul.f32 v55, v4;
	[tilespmem:v32+s13+$0x0] =	vst.idx.add.f32.msk $0xffff, v2  }
0xb6: {  	v60 =	vadd.f32 $8.388607500e+06, v60;
	v52 =	vmul.f32 v52, v4;
	v51 =	vmul.f32 v51, v4;
	[tilespmem:v21+s13+$0x0] =	vst.idx.add.f32.msk $0xffff, v2  }
0xb7: {  	v49 =	vmin.f32 v49, $8.390655000e+06;
	v54 =	vmul.f32 v54, v4;
	v53 =	vmul.f32 v53, v4;
	[tilespmem:v18+s13+$0x0] =	vst.idx.add.f32.msk $0xffff, v2  }
0xb8: {  	v48 =	vmin.f32 v48, $8.390655000e+06;
	v49 =	vadd.s32 v1, v49;
	v5 =	vmul.f32 v5, v4;
	[tilespmem:v6+s13+$0x0] =	vst.idx.add.f32.msk $0xffff, v2  }
0xb9: {  	v50 =	vmin.f32 v50, $8.390655000e+06;
	v48 =	vadd.s32 v1, v48;
	v62 =	vmul.f32 v62, v4;
	[tilespmem:v23+s13+$0x0] =	vst.idx.add.f32.msk $0xffff, v2  }
0xba: {  	v40 =	vand.u32 $0x7FFFFFFF, v40;
	v0 =	vmul.f32 v0, v4;
	v3 =	vmul.f32 v3, v4;
	[tilespmem:v9+s13+$0x0] =	vst.idx.add.f32.msk $0xffff, v2  }
0xbb: {  	v54 =	vand.u32 $0x7FFFFFFF, v54;
	v56 =	vadd.f32 $8.388607500e+06, v58;
	v58 =	vand.u32 $0x7FFFFFFF, v62;
	[tilespmem:v10+s13+$0x0] =	vst.idx.add.f32.msk $0xffff, v2  }
0xbc: {  	v53 =	vand.u32 $0x7FFFFFFF, v53;
	v21 =	vmin.f32 v60, $8.390655000e+06;
	v60 =	vadd.f32 $8.388607500e+06, v58;
	[tilespmem:v7+s13+$0x0] =	vst.idx.add.f32.msk $0xffff, v2  }
0xbd: {  	v52 =	vand.u32 $0x7FFFFFFF, v52;
	v5 =	vand.u32 $0x7FFFFFFF, v5;
	v0 =	vand.u32 $0x7FFFFFFF, v0;
	[tilespmem:v8+s13+$0x0] =	vst.idx.add.f32.msk $0xffff, v2  }
0xbe: {  	v3 =	vand.u32 $0x7FFFFFFF, v3;
	v32 =	vmovc v49;
	v49 =	vadd.f32 $8.388607500e+06, v52;
	v52 =	vmin.f32 v60, $8.390655000e+06;
	[tilespmem:v11+s13+$0x0] =	vst.idx.add.f32.msk $0xffff, v2  }
0xbf: {  	v5 =	vadd.f32 $8.388607500e+06, v5;
	v9 =	vadd.s32 v1, v21;
	v21 =	vadd.s32 v1, v52;
	[tilespmem:v47+s13+$0x0] =	vst.idx.add.f32.msk $0xffff, v2  }
0xc0: {  	v54 =	vadd.f32 $8.388607500e+06, v54;
	v3 =	vadd.f32 $8.388607500e+06, v3;
	v8 =	vmovc v21;
	v21 =	vmul.f32 v63, v4;
	[tilespmem:v19+s13+$0x0] =	vst.idx.add.f32.msk $0xffff, v2  }
0xc1: {  	v0 =	vadd.f32 $8.388607500e+06, v0;
	v5 =	vmin.f32 v5, $8.390655000e+06;
	v27 =	vadd.f32 $8.388607500e+06, v27;
	[tilespmem:v38+s13+$0x0] =	vst.idx.add.f32.msk $0xffff, v2  }
0xc2: {  	v11 =	vadd.s32 v1, v5;
	v5 =	vand.u32 $0x7FFFFFFF, v21;
	v19 =	vadd.f32 $8.388607500e+06, v40;
	[tilespmem:v45+s13+$0x0] =	vst.idx.add.f32.msk $0xffff, v2  }
0xc3: {  	v54 =	vmin.f32 v54, $8.390655000e+06;
	v3 =	vmin.f32 v3, $8.390655000e+06;
	v5 =	vadd.f32 $8.388607500e+06, v5;
	[tilespmem:v24+s13+$0x0] =	vst.idx.add.f32.msk $0xffff, v2  }
0xc4: {  	v14 =	vadd.f32 $8.388607500e+06, v53;
	v27 =	vmin.f32 v27, $8.390655000e+06;
	v63 =	vmin.f32 v19, $8.390655000e+06;
	[tilespmem:v31+s13+$0x0] =	vst.idx.add.f32.msk $0xffff, v2  }
0xc5: {  	v31 =	vmin.f32 v0, $8.390655000e+06;
	v0 =	vmin.f32 v5, $8.390655000e+06;
	v5 =	vmul.f32 v30, v4;
	[tilespmem:v12+s13+$0x0] =	vst.idx.add.f32.msk $0xffff, v2  }
0xc6: {  	v19 =	vadd.s32 v1, v3;
	v3 =	vmin.f32 v16, $8.390655000e+06;
	v16 =	vmul.f32 v43, v4;
	[tilespmem:v44+s13+$0x0] =	vst.idx.add.f32.msk $0xffff, v2  }
0xc7: {  	v54 =	vadd.s32 v1, v54;
	v27 =	vadd.s32 v1, v27;
	v5 =	vand.u32 $0x7FFFFFFF, v5;
	[tilespmem:v17+s13+$0x0] =	vst.idx.add.f32.msk $0xffff, v2  }
0xc8: {  	v14 =	vmin.f32 v14, $8.390655000e+06;
	[tilespmem:v39+s13+$0x0] =	vst.idx.add.f32.msk $0xffff, v2;
	v39 =	vadd.f32 $8.388607500e+06, v5;
	v5 =	vand.u32 $0x7FFFFFFF, v16  }
0xc9: {  	v18 =	vmin.f32 v56, $8.390655000e+06;
	v62 =	vmul.f32 v59, v4;
	[tilespmem:v37+s13+$0x0] =	vst.idx.add.f32.msk $0xffff, v2;
	v5 =	vadd.f32 $8.388607500e+06, v5  }
0xca: {  	v57 =	vadd.f32 $8.388607500e+06, v61;
	v14 =	vadd.s32 v1, v14;
	v18 =	vadd.s32 v1, v18;
	[tilespmem:v35+s13+$0x0] =	vst.idx.add.f32.msk $0xffff, v2  }
0xcb: {  	v60 =	vand.u32 $0x7FFFFFFF, v62;
	v35 =	vmul.f32 v36, v4;
	v36 =	vmin.f32 v5, $8.390655000e+06;
	v5 =	vld [tilespmem:$0x1FFE0]  }
0xcc: {  	v23 =	vmin.f32 v49, $8.390655000e+06;
	v59 =	vand.u32 $0x7FFFFFFF, v55;
	v61 =	vadd.f32 $8.388607500e+06, v60  }
0xcd: {  	v58 =	vmin.f32 v57, $8.390655000e+06;
	v12 =	vadd.s32 v1, v0;
	v0 =	vmul.f32 v46, v4  }
0xce: {  	v10 =	vadd.s32 v1, v50;
	v62 =	vand.u32 $0x7FFFFFFF, v51;
	v47 =	vmin.f32 v61, $8.390655000e+06  }
0xcf: {  	v21 =	vadd.s32 v1, v58;
	v3 =	vadd.s32 v1, v3;
	v0 =	vand.u32 $0x7FFFFFFF, v0  }
.Ltmp1:
0xd0: {  	v24 =	vadd.f32 $8.388607500e+06, v59;
	v30 =	vmul.f32 v41, v4;
	v0 =	vadd.f32 $8.388607500e+06, v0;
	(pc) =	sbr.rel @p1 .LBB2_5-.Ltmp1, $4  }
0xd1: {  	v40 =	vadd.f32 $8.388607500e+06, v62;
	v41 =	vmul.f32 v42, v4;
	v17 =	vmul.f32 v26, v4;
	[tilespmem:v34+s13+$0x0] =	vst.idx.add.f32.msk $0xffff, v2  }
0xd2: {  	v38 =	vmin.f32 v24, $8.390655000e+06;
	v37 =	vmin.f32 v0, $8.390655000e+06;
	v0 =	vmul.f32 v28, v4;
	[tilespmem:v33+s13+$0x0] =	vst.idx.add.f32.msk $0xffff, v2  }
0xd3: {  	v56 =	vmovc v54;
	v24 =	vadd.s32 v1, v63;
	v26 =	vadd.f32 $8.388607500e+06, v15;
	v16 =	vand.u32 $0x7FFFFFFF, v17;
	[tilespmem:v5+s13+$0x0] =	vst.idx.add.f32.msk $0xffff, v2  }
0xd4: {  	p0 =	por !p0, !p0;
	s20 =	sadd.s32 $0x200, s20;
	s23 =	smov.u32 s21;
	v7 =	vmovc v48;
	v17 =	vadd.s32 v1, v47;
	v16 =	vadd.f32 $8.388607500e+06, v16;
	v15 =	vand.u32 $0x7FFFFFFF, v0;
	[tilespmem:v3+s13+$0x0] =	vst.idx.add.f32.msk $0xffff, v2  }
0xd5: {  	v0 =	vand.u32 $0x7FFFFFFF, v13  }
0xd6: {  	v0 =	vadd.f32 $8.388607500e+06, v0  }
0xd7: {  	v3 =	vmin.f32 v26, $8.390655000e+06;
	v5 =	vadd.s32 v1, v38  }
0xd8: {  	v3 =	vadd.s32 v1, v3;
	v0 =	vmin.f32 v0, $8.390655000e+06  }
0xd9: {  	v0 =	vadd.s32 v1, v0  }
0xda: {  	[tilespmem:v27+s13+$0x0] =	vst.idx.add.f32.msk $0xffff, v2  }
0xdb: {  	[tilespmem:v20+s13+$0x0] =	vst.idx.add.f32.msk $0xffff, v2  }
0xdc: {  	[tilespmem:v5+s13+$0x0] =	vst.idx.add.f32.msk $0xffff, v2  }
0xdd: {  	[tilespmem:v3+s13+$0x0] =	vst.idx.add.f32.msk $0xffff, v2  }
0xde: {  	[tilespmem:v0+s13+$0x0] =	vst.idx.add.f32.msk $0xffff, v2  }
0xdf: {  	v0 =	vadd.s32 v1, v23;
	[tilespmem:v14+s13+$0x0] =	vst.idx.add.f32.msk $0xffff, v2  }
0xe0: {  	[tilespmem:v32+s13+$0x0] =	vst.idx.add.f32.msk $0xffff, v2  }
0xe1: {  	[tilespmem:v21+s13+$0x0] =	vst.idx.add.f32.msk $0xffff, v2  }
0xe2: {  	[tilespmem:v18+s13+$0x0] =	vst.idx.add.f32.msk $0xffff, v2  }
0xe3: {  	[tilespmem:v56+s13+$0x0] =	vst.idx.add.f32.msk $0xffff, v2  }
0xe4: {  	v5 =	vand.u32 $0x7FFFFFFF, v35;
	v3 =	vmin.f32 v39, $8.390655000e+06;
	[tilespmem:v0+s13+$0x0] =	vst.idx.add.f32.msk $0xffff, v2  }
0xe5: {  	v3 =	vadd.s32 v1, v3;
	v0 =	vadd.f32 $8.388607500e+06, v5;
	[tilespmem:v9+s13+$0x0] =	vst.idx.add.f32.msk $0xffff, v2  }
0xe6: {  	v5 =	vand.u32 $0x7FFFFFFF, v30;
	[tilespmem:v10+s13+$0x0] =	vst.idx.add.f32.msk $0xffff, v2  }
0xe7: {  	v6 =	vadd.s32 v1, v31;
	v5 =	vadd.f32 $8.388607500e+06, v5;
	v0 =	vmin.f32 v0, $8.390655000e+06;
	[tilespmem:v7+s13+$0x0] =	vst.idx.add.f32.msk $0xffff, v2  }
0xe8: {  	v7 =	vand.u32 $0x7FFFFFFF, v41;
	v0 =	vadd.s32 v1, v0;
	[tilespmem:v8+s13+$0x0] =	vst.idx.add.f32.msk $0xffff, v2  }
0xe9: {  	v5 =	vmin.f32 v5, $8.390655000e+06;
	v7 =	vadd.f32 $8.388607500e+06, v7;
	[tilespmem:v11+s13+$0x0] =	vst.idx.add.f32.msk $0xffff, v2  }
0xea: {  	v8 =	vmul.f32 v29, v4;
	v5 =	vadd.s32 v1, v5;
	[tilespmem:v3+s13+$0x0] =	vst.idx.add.f32.msk $0xffff, v2  }
0xeb: {  	v3 =	vmul.f32 v25, v4;
	v7 =	vmin.f32 v7, $8.390655000e+06;
	[tilespmem:v19+s13+$0x0] =	vst.idx.add.f32.msk $0xffff, v2  }
0xec: {  	v9 =	vmul.f32 v22, v4;
	v8 =	vand.u32 $0x7FFFFFFF, v8;
	v7 =	vadd.s32 v1, v7;
	[tilespmem:v6+s13+$0x0] =	vst.idx.add.f32.msk $0xffff, v2  }
0xed: {  	v6 =	vadd.f32 $8.388607500e+06, v8;
	v3 =	vand.u32 $0x7FFFFFFF, v3;
	[tilespmem:v0+s13+$0x0] =	vst.idx.add.f32.msk $0xffff, v2  }
0xee: {  	v8 =	vadd.s32 v1, v36;
	v0 =	vand.u32 $0x7FFFFFFF, v9;
	v3 =	vadd.f32 $8.388607500e+06, v3;
	[tilespmem:v24+s13+$0x0] =	vst.idx.add.f32.msk $0xffff, v2  }
0xef: {  	v9 =	vadd.s32 v1, v37;
	v6 =	vmin.f32 v6, $8.390655000e+06;
	v0 =	vadd.f32 $8.388607500e+06, v0;
	[tilespmem:v5+s13+$0x0] =	vst.idx.add.f32.msk $0xffff, v2  }
0xf0: {  	v3 =	vmin.f32 v3, $8.390655000e+06;
	v5 =	vadd.s32 v1, v6;
	[tilespmem:v12+s13+$0x0] =	vst.idx.add.f32.msk $0xffff, v2  }
0xf1: {  	v0 =	vmin.f32 v0, $8.390655000e+06;
	v3 =	vadd.s32 v1, v3;
	[tilespmem:v7+s13+$0x0] =	vst.idx.add.f32.msk $0xffff, v2  }
0xf2: {  	v6 =	vmin.f32 v40, $8.390655000e+06;
	v0 =	vadd.s32 v1, v0;
	v7 =	vadd.f32 $8.388607500e+06, v15;
	[tilespmem:v17+s13+$0x0] =	vst.idx.add.f32.msk $0xffff, v2  }
0xf3: {  	v10 =	vmin.f32 v16, $8.390655000e+06;
	v6 =	vadd.s32 v1, v6;
	[tilespmem:v8+s13+$0x0] =	vst.idx.add.f32.msk $0xffff, v2  }
0xf4: {  	v8 =	vadd.s32 v1, v10;
	v7 =	vmin.f32 v7, $8.390655000e+06;
	[tilespmem:v9+s13+$0x0] =	vst.idx.add.f32.msk $0xffff, v2  }
0xf5: {  	[tilespmem:v5+s13+$0x0] =	vst.idx.add.f32.msk $0xffff, v2;
	v5 =	vadd.s32 v1, v7  }
0xf6: {  	[tilespmem:v3+s13+$0x0] =	vst.idx.add.f32.msk $0xffff, v2  }
0xf7: {  	[tilespmem:v0+s13+$0x0] =	vst.idx.add.f32.msk $0xffff, v2  }
0xf8: {  	[tilespmem:v6+s13+$0x0] =	vst.idx.add.f32.msk $0xffff, v2  }
0xf9: {  	p0 =	seq.s32 s18, $0xF;
	[tilespmem:v8+s13+$0x0] =	vst.idx.add.f32.msk $0xffff, v2  }
0xfa: {  	s0 =	sadd.s32 @!p0 s19, s5;
	s1 =	simm.s32 @!p0 $0x0;
	[tilespmem:v5+s13+$0x0] =	vst.idx.add.f32.msk $0xffff, v2  }
0xfb: {  	[tilespmem:s1], [sflag:$0x1] =	stream.linear.gather @!p0 [hbm4b:s0+s1], $0x8000, $0x38;
	[tilespmem:$0x18980] =	vst v63  }
0xfc: {  	s28 =	simm.s32 $0x0;
	_ =	swait.ge [sflag:s14], $0x8000  }
0xfd: {  	s9 =	sand.u32 $0x40, s28;
	s1 =	sand.u32 $0x7C00, s28;
	[sflag:s14] =	ssyncset.done $0x0  }
0xfe: {  	s22 =	sor.u32 s9, s1;
	[sflag:s14] =	ssyncadd.s32 $0xFFFF8000  }
0xff: {  	v0 =	vld [tilespmem:s22+$0x8010]  }
0x100: {  	v8 =	vld [tilespmem:s22+$0x80B0]  }
0x101: {  	v9 =	vld [tilespmem:s22+$0x8020]  }
0x102: {  	p0 =	por $0x0, $0x0;
	s0 =	simm.s32 $0x1;
	v10 =	vld [tilespmem:s22+$0x8030]  }
0x103: {  	s0 =	simm.s32 @!p0 $0x0;
	v11 =	vld [tilespmem:s22+$0x8090]  }
0x104: {  	s0 =	sshll.u32 s0, $0x6;
	v12 =	vld [tilespmem:s22+$0x8000]  }
0x105: {  	s21 =	sadd.s32 $0x0, s0;
	v13 =	vld [tilespmem:s22+$0x8080]  }
0x106: {  	s31 =	sor.u32 $0x380, s21;
	v14 =	vld [tilespmem:s22+$0x80A0]  }
0x107: {  	s19 =	sadd.s32 $0x20, s21;
	s15 =	sor.u32 $0x200, s21;
	v7 =	vld [tilespmem:s31+$0x8000]  }
0x108: {  	s20 =	sadd.s32 $0x10, s21;
	s29 =	sor.u32 $0x380, s19;
	v24 =	vld [tilespmem:s15+$0x8000]  }
0x109: {  	s30 =	sor.u32 $0x380, s20;
	v3 =	vld [tilespmem:s29+$0x8000];
	v0 =	vmul.f32 v0, v4  }
0x10a: {  	v6 =	vld [tilespmem:s30+$0x8000];
	v9 =	vmul.f32 v9, v4;
	v10 =	vmul.f32 v10, v4  }
0x10b: {  	s26 =	sor.u32 $0x200, s19;
	v12 =	vmul.f32 v12, v4;
	v11 =	vmul.f32 v11, v4  }
0x10c: {  	v27 =	vld [tilespmem:s26+$0x8000];
	v13 =	vmul.f32 v13, v4;
	v21 =	vmul.f32 v14, v4  }
0x10d: {  	s29 =	sor.u32 $0x280, s20;
	v8 =	vmul.f32 v8, v4;
	v7 =	vmul.f32 v7, v4  }
0x10e: {  	v31 =	vld [tilespmem:s29+$0x8000];
	v24 =	vmul.f32 v24, v4;
	v5 =	vmul.f32 v3, v4  }
0x10f: {  	v0 =	vand.u32 $0x7FFFFFFF, v0;
	v6 =	vmul.f32 v6, v4;
	v9 =	vand.u32 $0x7FFFFFFF, v9  }
0x110: {  	v14 =	vld [tilespmem:s22+$0x81B0];
	v16 =	vand.u32 $0x7FFFFFFF, v10;
	v12 =	vand.u32 $0x7FFFFFFF, v12;
	v8 =	vand.u32 $0x7FFFFFFF, v8  }
0x111: {  	v15 =	vld [tilespmem:s22+$0x8120];
	v28 =	vmul.f32 v27, v4;
	v0 =	vadd.f32 $8.388607500e+06, v0;
	v16 =	vadd.f32 $8.388607500e+06, v16  }
0x112: {  	v17 =	vld [tilespmem:s22+$0x8130];
	v12 =	vadd.f32 $8.388607500e+06, v12;
	v24 =	vand.u32 $0x7FFFFFFF, v24;
	v7 =	vand.u32 $0x7FFFFFFF, v7  }
0x113: {  	v3 =	vld [tilespmem:s22+$0x8100];
	v61 =	vmul.f32 v31, v4;
	v28 =	vand.u32 $0x7FFFFFFF, v28;
	v7 =	vadd.f32 $8.388607500e+06, v7  }
0x114: {  	v18 =	vld [tilespmem:s22+$0x8110];
	v6 =	vand.u32 $0x7FFFFFFF, v6;
	v5 =	vand.u32 $0x7FFFFFFF, v5;
	v0 =	vmin.f32 v0, $8.390655000e+06  }
0x115: {  	v20 =	vmul.f32 v14, v4;
	v12 =	vmin.f32 v12, $8.390655000e+06;
	v30 =	vadd.f32 $8.388607500e+06, v28  }
0x116: {  	v5 =	vadd.f32 $8.388607500e+06, v5;
	v10 =	vadd.s32 v1, v0;
	v0 =	vadd.f32 $8.388607500e+06, v9  }
0x117: {  	v9 =	vand.u32 $0x7FFFFFFF, v11;
	v11 =	vand.u32 $0x7FFFFFFF, v13;
	v13 =	vmul.f32 v15, v4  }
0x118: {  	s24 =	sor.u32 $0x300, s21;
	v25 =	vadd.s32 v1, v12;
	v57 =	vmin.f32 v7, $8.390655000e+06;
	v3 =	vmul.f32 v3, v4  }
0x119: {  	v12 =	vld [tilespmem:s24+$0x8000];
	v15 =	vadd.f32 $8.388607500e+06, v11;
	v11 =	vmul.f32 v17, v4;
	v17 =	vmul.f32 v18, v4  }
0x11a: {  	v9 =	vadd.f32 $8.388607500e+06, v9;
	v0 =	vmin.f32 v0, $8.390655000e+06;
	v13 =	vand.u32 $0x7FFFFFFF, v13  }
0x11b: {  	s23 =	sadd.s32 $0x30, s21;
	v18 =	vld [tilespmem:s22+$0x8180];
	v3 =	vand.u32 $0x7FFFFFFF, v3;
	v13 =	vadd.f32 $8.388607500e+06, v13;
	v14 =	vand.u32 $0x7FFFFFFF, v11  }
0x11c: {  	v22 =	vld [tilespmem:s22+$0x8190];
	s25 =	sor.u32 $0x280, s23;
	v11 =	vadd.s32 v1, v0;
	v0 =	vadd.f32 $8.388607500e+06, v8;
	v3 =	vadd.f32 $8.388607500e+06, v3  }
0x11d: {  	s9 =	sor.u32 $0x200, s23;
	v26 =	vld [tilespmem:s25+$0x8000];
	v17 =	vand.u32 $0x7FFFFFFF, v17;
	v9 =	vmin.f32 v9, $8.390655000e+06;
	v15 =	vmin.f32 v15, $8.390655000e+06  }
0x11e: {  	s30 =	sor.u32 $0x280, s21;
	s21 =	sor.u32 $0x300, s23;
	v23 =	vadd.f32 $8.388607500e+06, v14;
	v8 =	vmin.f32 v13, $8.390655000e+06;
	v3 =	vmin.f32 v3, $8.390655000e+06  }
0x11f: {  	s15 =	simm.s32 $0x40;
	v0 =	vmin.f32 v0, $8.390655000e+06;
	v12 =	vmul.f32 v12, v4;
	v14 =	vadd.s32 v1, v3;
	v3 =	vld [tilespmem:s9+$0x8000];
	s9 =	sor.u32 $0x380, s23;
	s23 =	simm.s32 $0x200  }
0x120: {  	s15 =	sand.u32 $0x40, s15;
	v19 =	vadd.s32 v1, v8;
	v8 =	vmin.f32 v16, $8.390655000e+06;
	v13 =	vmul.f32 v18, v4;
	v18 =	vld [tilespmem:s22+$0x81A0];
	s0 =	sand.u32 $0x7C00, s23  }
0x121: {  	v16 =	vmin.f32 v23, $8.390655000e+06;
	v23 =	vand.u32 $0x7FFFFFFF, v20;
	v27 =	vadd.s32 v1, v0;
	v0 =	vld [tilespmem:s30+$0x8000];
	s23 =	sor.u32 s15, s0  }
0x122: {  	v20 =	vadd.s32 v1, v16;
	v16 =	vadd.f32 $8.388607500e+06, v17;
	v17 =	vmul.f32 v22, v4;
	v43 =	vld [tilespmem:s23+$0x8100]  }
0x123: {  	v22 =	vadd.f32 $8.388607500e+06, v23;
	v23 =	vand.u32 $0x7FFFFFFF, v21;
	v21 =	vadd.s32 v1, v15;
	v62 =	vld [tilespmem:s23+$0x8010]  }
0x124: {  	v15 =	vadd.s32 v1, v9;
	v13 =	vand.u32 $0x7FFFFFFF, v13;
	v17 =	vand.u32 $0x7FFFFFFF, v17;
	v47 =	vld [tilespmem:s23+$0x80B0]  }
0x125: {  	v55 =	vadd.s32 v1, v8;
	v13 =	vadd.f32 $8.388607500e+06, v13;
	v16 =	vmin.f32 v16, $8.390655000e+06;
	v49 =	vld [tilespmem:s23+$0x8090]  }
0x126: {  	v9 =	vadd.f32 $8.388607500e+06, v17;
	v50 =	vld [tilespmem:s23+$0x8020];
	v17 =	vmul.f32 v18, v4;
	v18 =	vadd.f32 $8.388607500e+06, v23  }
0x127: {  	v51 =	vld [tilespmem:s23+$0x8030];
	v23 =	vmin.f32 v22, $8.390655000e+06;
	v13 =	vmin.f32 v13, $8.390655000e+06;
	v0 =	vmul.f32 v0, v4  }
0x128: {  	v52 =	vld [tilespmem:s23+$0x8000];
	v3 =	vmul.f32 v3, v4;
	v9 =	vmin.f32 v9, $8.390655000e+06;
	v23 =	vadd.s32 v1, v23  }
0x129: {  	v48 =	vld [tilespmem:s23+$0x80A0];
	v28 =	vadd.s32 v1, v13;
	v17 =	vand.u32 $0x7FFFFFFF, v17;
	v22 =	vadd.s32 v1, v9  }
0x12a: {  	v44 =	vld [tilespmem:s23+$0x8110];
	v9 =	vmin.f32 v18, $8.390655000e+06;
	v18 =	vmul.f32 v26, v4;
	v0 =	vand.u32 $0x7FFFFFFF, v0  }
0x12b: {  	v45 =	vld [tilespmem:s23+$0x8120];
	v3 =	vand.u32 $0x7FFFFFFF, v3;
	v17 =	vadd.f32 $8.388607500e+06, v17;
	v53 =	vmul.f32 v62, v4  }
0x12c: {  	v13 =	vld [tilespmem:s21+$0x8000];
	v29 =	vadd.s32 v1, v9;
	v50 =	vmul.f32 v50, v4;
	v51 =	vmul.f32 v51, v4  }
0x12d: {  	v0 =	vadd.f32 $8.388607500e+06, v0;
	v8 =	vmul.f32 v52, v4;
	v49 =	vmul.f32 v49, v4  }
0x12e: {  	s28 =	sor.u32 $0x200, s20;
	v3 =	vadd.f32 $8.388607500e+06, v3;
	v48 =	vmul.f32 v48, v4;
	v47 =	vmul.f32 v47, v4  }
0x12f: {  	v26 =	vld [tilespmem:s28+$0x8000];
	v18 =	vand.u32 $0x7FFFFFFF, v18;
	v43 =	vmul.f32 v43, v4;
	v44 =	vmul.f32 v44, v4  }
0x130: {  	v45 =	vmul.f32 v45, v4;
	v18 =	vadd.f32 $8.388607500e+06, v18;
	v0 =	vmin.f32 v0, $8.390655000e+06  }
0x131: {  	v3 =	vmin.f32 v3, $8.390655000e+06;
	v13 =	vmul.f32 v13, v4;
	v41 =	vadd.s32 v1, v0  }
0x132: {  	p0 =	por !p0, !p0;
	s1 =	simm.s32 $0x1;
	s31 =	sor.u32 $0x300, s19;
	v53 =	vand.u32 $0x7FFFFFFF, v53;
	v50 =	vand.u32 $0x7FFFFFFF, v50;
	v51 =	vand.u32 $0x7FFFFFFF, v51  }
0x133: {  	s1 =	simm.s32 @!p0 $0x0;
	v9 =	vld [tilespmem:s31+$0x8000];
	v49 =	vand.u32 $0x7FFFFFFF, v49;
	v43 =	vand.u32 $0x7FFFFFFF, v43;
	v44 =	vand.u32 $0x7FFFFFFF, v44  }
0x134: {  	s1 =	sshll.u32 s1, $0x6;
	s19 =	sor.u32 $0x280, s19;
	v48 =	vand.u32 $0x7FFFFFFF, v48;
	v26 =	vmul.f32 v26, v4;
	v32 =	vadd.s32 v1, v3  }
0x135: {  	v60 =	vld [tilespmem:s19+$0x8000];
	s19 =	sadd.s32 $0x200, s1;
	v3 =	vadd.f32 $8.388607500e+06, v24;
	v24 =	vmin.f32 v17, $8.390655000e+06;
	v17 =	vmin.f32 v30, $8.390655000e+06  }
0x136: {  	s29 =	sor.u32 $0x200, s19;
	v30 =	vadd.s32 v1, v16;
	v53 =	vadd.f32 $8.388607500e+06, v53;
	v62 =	vadd.f32 $8.388607500e+06, v51  }
0x137: {  	v35 =	vld [tilespmem:s29+$0x8000];
	v18 =	vmin.f32 v18, $8.390655000e+06;
	v44 =	vadd.f32 $8.388607500e+06, v44;
	v48 =	vadd.f32 $8.388607500e+06, v48  }
0x138: {  	v33 =	vld [tilespmem:s9+$0x8000];
	v9 =	vmul.f32 v9, v4;
	v13 =	vand.u32 $0x7FFFFFFF, v13;
	v36 =	vadd.s32 v1, v18  }
0x139: {  	s22 =	sor.u32 $0x300, s20;
	v46 =	vld [tilespmem:s23+$0x81B0];
	v54 =	vadd.s32 v1, v24;
	v26 =	vand.u32 $0x7FFFFFFF, v26;
	v3 =	vmin.f32 v3, $8.390655000e+06  }
0x13a: {  	s20 =	sadd.s32 $0x10, s19;
	s28 =	sor.u32 $0x380, s19;
	v0 =	vld [tilespmem:s23+$0x8080];
	v13 =	vadd.f32 $8.388607500e+06, v13;
	v48 =	vmin.f32 v48, $8.390655000e+06;
	v44 =	vmin.f32 v44, $8.390655000e+06  }
0x13b: {  	s26 =	sor.u32 $0x380, s20;
	v58 =	vld [tilespmem:s28+$0x8000];
	v16 =	vadd.f32 $8.388607500e+06, v26;
	v26 =	vadd.s32 v1, v17;
	v34 =	vadd.s32 v1, v3  }
0x13c: {  	v18 =	vld [tilespmem:s26+$0x8000];
	v3 =	vand.u32 $0x7FFFFFFF, v12;
	v12 =	vand.u32 $0x7FFFFFFF, v61;
	v9 =	vand.u32 $0x7FFFFFFF, v9  }
0x13d: {  	v17 =	vld [tilespmem:s22+$0x8000];
	v61 =	vand.u32 $0x7FFFFFFF, v8;
	v12 =	vadd.f32 $8.388607500e+06, v12;
	v3 =	vadd.f32 $8.388607500e+06, v3  }
0x13e: {  	[tilespmem:v25+s13+$0x0] =	vst.idx.add.f32.msk $0xffff, v2;
	v63 =	vadd.f32 $8.388607500e+06, v9;
	v9 =	vmul.f32 v60, v4;
	v42 =	vmin.f32 v13, $8.390655000e+06  }
0x13f: {  	v60 =	vmin.f32 v53, $8.390655000e+06;
	v0 =	vmul.f32 v0, v4;
	[tilespmem:v10+s13+$0x0] =	vst.idx.add.f32.msk $0xffff, v2;
	v10 =	vadd.f32 $8.388607500e+06, v50  }
0x140: {  	s22 =	sadd.s32 $0x30, s19;
	v25 =	vld [tilespmem:s23+$0x8130];
	v31 =	vmin.f32 v16, $8.390655000e+06;
	v16 =	vmul.f32 v33, v4;
	v8 =	vadd.s32 v1, v60  }
0x141: {  	s24 =	sor.u32 $0x200, s22;
	[tilespmem:v11+s13+$0x0] =	vst.idx.add.f32.msk $0xffff, v2;
	v11 =	vand.u32 $0x7FFFFFFF, v47;
	v56 =	vmin.f32 v12, $8.390655000e+06;
	v9 =	vand.u32 $0x7FFFFFFF, v9  }
0x142: {  	v33 =	vld [tilespmem:s24+$0x8000];
	v39 =	vmin.f32 v63, $8.390655000e+06;
	v3 =	vmin.f32 v3, $8.390655000e+06;
	v0 =	vand.u32 $0x7FFFFFFF, v0  }
0x143: {  	s26 =	sor.u32 $0x280, s22;
	[tilespmem:v55+s13+$0x0] =	vst.idx.add.f32.msk $0xffff, v2;
	v10 =	vmin.f32 v10, $8.390655000e+06;
	v55 =	vmul.f32 v46, v4;
	v47 =	vadd.f32 $8.388607500e+06, v11  }
0x144: {  	v60 =	vld [tilespmem:s26+$0x8000];
	v12 =	vand.u32 $0x7FFFFFFF, v16;
	v9 =	vadd.f32 $8.388607500e+06, v9;
	v0 =	vadd.f32 $8.388607500e+06, v0  }
0x145: {  	s21 =	sadd.s32 $0x20, s19;
	v40 =	vadd.s32 v1, v3;
	[tilespmem:v21+s13+$0x0] =	vst.idx.add.f32.msk $0xffff, v2;
	v21 =	vadd.f32 $8.388607500e+06, v43;
	v12 =	vadd.f32 $8.388607500e+06, v12  }
0x146: {  	s9 =	sor.u32 $0x280, s21;
	v17 =	vmul.f32 v17, v4;
	v25 =	vmul.f32 v25, v4;
	[tilespmem:v15+s13+$0x0] =	vst.idx.add.f32.msk $0xffff, v2;
	v15 =	vand.u32 $0x7FFFFFFF, v45  }
0x147: {  	s25 =	sor.u32 $0x380, s21;
	v24 =	vld [tilespmem:s9+$0x8000];
	v45 =	vand.u32 $0x7FFFFFFF, v55;
	v47 =	vmin.f32 v47, $8.390655000e+06;
	v59 =	vmin.f32 v9, $8.390655000e+06  }
0x148: {  	v16 =	vld [tilespmem:s25+$0x8000];
	v9 =	vmin.f32 v5, $8.390655000e+06;
	v45 =	vadd.f32 $8.388607500e+06, v45;
	v0 =	vmin.f32 v0, $8.390655000e+06  }
0x149: {  	[tilespmem:v29+s13+$0x0] =	vst.idx.add.f32.msk $0xffff, v2;
	v7 =	vmin.f32 v12, $8.390655000e+06;
	v12 =	vadd.f32 $8.388607500e+06, v6;
	v9 =	vadd.s32 v1, v9  }
0x14a: {  	s31 =	sor.u32 $0x200, s21;
	v38 =	vadd.s32 v1, v59;
	v25 =	vand.u32 $0x7FFFFFFF, v25;
	[tilespmem:v27+s13+$0x0] =	vst.idx.add.f32.msk $0xffff, v2;
	v27 =	vadd.f32 $8.388607500e+06, v49  }
0x14b: {  	v3 =	vld [tilespmem:s31+$0x8000];
	v33 =	vmul.f32 v33, v4;
	v51 =	vmul.f32 v60, v4;
	v6 =	vadd.s32 v1, v7  }
0x14c: {  	s15 =	sor.u32 $0x380, s22;
	v63 =	vld [tilespmem:s23+$0x8180];
	v7 =	vmul.f32 v18, v4;
	v45 =	vmin.f32 v45, $8.390655000e+06;
	v13 =	vmin.f32 v12, $8.390655000e+06  }
0x14d: {  	v46 =	vld [tilespmem:s15+$0x8000];
	s25 =	sor.u32 $0x300, s20;
	v5 =	vmul.f32 v16, v4;
	v16 =	vand.u32 $0x7FFFFFFF, v17;
	v12 =	vmul.f32 v58, v4  }
0x14e: {  	v50 =	vld [tilespmem:s25+$0x8000];
	v17 =	vadd.s32 v1, v42;
	v42 =	vadd.s32 v1, v56;
	v56 =	vadd.f32 $8.388607500e+06, v15  }
0x14f: {  	s24 =	sor.u32 $0x300, s19;
	v29 =	vld [tilespmem:s23+$0x8190];
	v15 =	vadd.s32 v1, v10;
	v10 =	vmin.f32 v21, $8.390655000e+06;
	v21 =	vadd.f32 $8.388607500e+06, v25  }
0x150: {  	v59 =	vld [tilespmem:s24+$0x8000];
	v27 =	vmin.f32 v27, $8.390655000e+06;
	v33 =	vand.u32 $0x7FFFFFFF, v33;
	v3 =	vmul.f32 v3, v4  }
0x151: {  	[tilespmem:v14+s13+$0x0] =	vst.idx.add.f32.msk $0xffff, v2;
	v18 =	vadd.f32 $8.388607500e+06, v16;
	v13 =	vadd.s32 v1, v13;
	v16 =	vadd.s32 v1, v57  }
0x152: {  	[tilespmem:v30+s13+$0x0] =	vst.idx.add.f32.msk $0xffff, v2;
	v57 =	vadd.f32 $8.388607500e+06, v61;
	v11 =	vadd.s32 v1, v10;
	v27 =	vadd.s32 v1, v27  }
0x153: {  	v58 =	vld [tilespmem:s23+$0x81A0];
	v33 =	vadd.f32 $8.388607500e+06, v33;
	v25 =	vmin.f32 v56, $8.390655000e+06;
	v14 =	vmin.f32 v21, $8.390655000e+06  }
0x154: {  	[tilespmem:v19+s13+$0x0] =	vst.idx.add.f32.msk $0xffff, v2;
	v21 =	vmul.f32 v63, v4;
	v29 =	vmul.f32 v29, v4;
	v3 =	vand.u32 $0x7FFFFFFF, v3  }
0x155: {  	s31 =	sor.u32 $0x200, s20;
	[tilespmem:v20+s13+$0x0] =	vst.idx.add.f32.msk $0xffff, v2;
	v18 =	vmin.f32 v18, $8.390655000e+06;
	v10 =	vadd.s32 v1, v25;
	v25 =	vmin.f32 v62, $8.390655000e+06  }
0x156: {  	v63 =	vld [tilespmem:s31+$0x8000];
	v30 =	vmin.f32 v57, $8.390655000e+06;
	v14 =	vadd.s32 v1, v14;
	v49 =	vmul.f32 v59, v4  }
0x157: {  	s30 =	sor.u32 $0x300, s22;
	v57 =	vadd.s32 v1, v31;
	v31 =	vand.u32 $0x7FFFFFFF, v51;
	[tilespmem:v28+s13+$0x0] =	vst.idx.add.f32.msk $0xffff, v2;
	v28 =	vmul.f32 v35, v4  }
0x158: {  	s28 =	sor.u32 $0x280, s20;
	v3 =	vadd.f32 $8.388607500e+06, v3;
	v37 =	vadd.s32 v1, v18;
	v18 =	vld [tilespmem:s30+$0x8000];
	v21 =	vand.u32 $0x7FFFFFFF, v21  }
0x159: {  	v30 =	vadd.s32 v1, v30;
	v61 =	vand.u32 $0x7FFFFFFF, v29;
	v29 =	vadd.s32 v1, v0;
	v0 =	vld [tilespmem:s28+$0x8000]  }
0x15a: {  	s30 =	sor.u32 $0x280, s19;
	v51 =	vadd.f32 $8.388607500e+06, v31;
	v31 =	vadd.s32 v1, v47;
	[tilespmem:v22+s13+$0x0] =	vst.idx.add.f32.msk $0xffff, v2;
	v22 =	vmin.f32 v33, $8.390655000e+06  }
0x15b: {  	v33 =	vadd.s32 v1, v48;
	v52 =	vadd.f32 $8.388607500e+06, v61;
	v43 =	vmul.f32 v58, v4;
	v62 =	vld [tilespmem:s30+$0x8000]  }
0x15c: {  	s29 =	sor.u32 $0x300, s21;
	v20 =	vadd.f32 $8.388607500e+06, v21;
	[tilespmem:v54+s13+$0x0] =	vst.idx.add.f32.msk $0xffff, v2;
	v28 =	vand.u32 $0x7FFFFFFF, v28;
	v22 =	vadd.s32 v1, v22  }
0x15d: {  	v3 =	vmin.f32 v3, $8.390655000e+06;
	v61 =	vand.u32 $0x7FFFFFFF, v49;
	[tilespmem:v23+s13+$0x0] =	vst.idx.add.f32.msk $0xffff, v2;
	v23 =	vadd.f32 $8.388607500e+06, v28  }
0x15e: {  	v59 =	vmin.f32 v51, $8.390655000e+06;
	v19 =	vmin.f32 v52, $8.390655000e+06;
	v52 =	vld [tilespmem:s29+$0x8000];
	v58 =	vmul.f32 v63, v4  }
0x15f: {  	v43 =	vand.u32 $0x7FFFFFFF, v43;
	[tilespmem:v34+s13+$0x0] =	vst.idx.add.f32.msk $0xffff, v2;
	v34 =	vadd.s32 v1, v44;
	v44 =	vadd.s32 v1, v39  }
0x160: {  	v20 =	vmin.f32 v20, $8.390655000e+06;
	v21 =	vadd.s32 v1, v19;
	v19 =	vadd.s32 v1, v45;
	[tilespmem:v57+s13+$0x0] =	vst.idx.add.f32.msk $0xffff, v2  }
0x161: {  	v43 =	vadd.f32 $8.388607500e+06, v43;
	v28 =	vadd.s32 v1, v20;
	v20 =	vmin.f32 v23, $8.390655000e+06;
	[tilespmem:v26+s13+$0x0] =	vst.idx.add.f32.msk $0xffff, v2  }
0x162: {  	v23 =	vadd.s32 v1, v3;
	v3 =	vand.u32 $0x7FFFFFFF, v58;
	v0 =	vmul.f32 v0, v4;
	[tilespmem:v32+s13+$0x0] =	vst.idx.add.f32.msk $0xffff, v2  }
0x163: {  	v26 =	vadd.s32 v1, v20;
	v3 =	vadd.f32 $8.388607500e+06, v3;
	v60 =	vmul.f32 v62, v4;
	[tilespmem:v41+s13+$0x0] =	vst.idx.add.f32.msk $0xffff, v2  }
0x164: {  	v20 =	vadd.s32 v1, v59;
	v35 =	vmin.f32 v43, $8.390655000e+06;
	v0 =	vand.u32 $0x7FFFFFFF, v0;
	[tilespmem:v42+s13+$0x0] =	vst.idx.add.f32.msk $0xffff, v2  }
0x165: {  	v62 =	vmul.f32 v52, v4;
	v32 =	vmin.f32 v3, $8.390655000e+06;
	v3 =	vand.u32 $0x7FFFFFFF, v60;
	[tilespmem:v38+s13+$0x0] =	vst.idx.add.f32.msk $0xffff, v2  }
0x166: {  	v43 =	vmul.f32 v46, v4;
	v0 =	vadd.f32 $8.388607500e+06, v0;
	v3 =	vadd.f32 $8.388607500e+06, v3;
	[tilespmem:v36+s13+$0x0] =	vst.idx.add.f32.msk $0xffff, v2  }
0x167: {  	v41 =	vadd.f32 $8.388607500e+06, v61;
	v42 =	vmul.f32 v50, v4;
	v63 =	vand.u32 $0x7FFFFFFF, v62;
	[tilespmem:v40+s13+$0x0] =	vst.idx.add.f32.msk $0xffff, v2  }
0x168: {  	p0 =	por !p0, !p0;
	s21 =	simm.s32 $0x80;
	s19 =	simm.s32 $0x400;
	v38 =	vmin.f32 v0, $8.390655000e+06;
	v39 =	vadd.f32 $8.388607500e+06, v63;
	v40 =	vmin.f32 v3, $8.390655000e+06;
	[tilespmem:v37+s13+$0x0] =	vst.idx.add.f32.msk $0xffff, v2  }
.LBB2_7:
0x169: {  	s0 =	simm.s32 $0x1;
	s1 =	sand.u32 $0x40, s21  }
0x16a: {  	s9 =	sand.u32 $0x7C00, s19;
	v0 =	vmul.f32 v24, v4;
	v3 =	vmul.f32 v18, v4;
	v12 =	vand.u32 $0x7FFFFFFF, v12;
	[tilespmem:v44+s13+$0x0] =	vst.idx.add.f32.msk $0xffff, v2;
	s15 =	smov.u32 s21;
	s0 =	simm.s32 @!p0 $0x0  }
0x16b: {  	s20 =	sadd.s32 $0x40, s21;
	v7 =	vand.u32 $0x7FFFFFFF, v7;
	s23 =	sor.u32 s1, s9;
	v12 =	vadd.f32 $8.388607500e+06, v12;
	v18 =	vand.u32 $0x7FFFFFFF, v43;
	s0 =	sshll.u32 s0, $0x6;
	[tilespmem:v17+s13+$0x0] =	vst.idx.add.f32.msk $0xffff, v2  }
0x16c: {  	p1 =	sne.s32 s21, $0xFC0;
	v0 =	vand.u32 $0x7FFFFFFF, v0;
	v3 =	vand.u32 $0x7FFFFFFF, v3;
	v17 =	vadd.f32 $8.388607500e+06, v18;
	s0 =	sadd.s32 s0, s19;
	[tilespmem:v16+s13+$0x0] =	vst.idx.add.f32.msk $0xffff, v2  }
0x16d: {  	v0 =	vadd.f32 $8.388607500e+06, v0;
	v3 =	vadd.f32 $8.388607500e+06, v3;
	v16 =	vmin.f32 v12, $8.390655000e+06;
	s31 =	sadd.s32 $0x20, s0;
	s1 =	sadd.s32 $0x30, s0;
	s24 =	sor.u32 $0x300, s0;
	[tilespmem:v13+s13+$0x0] =	vst.idx.add.f32.msk $0xffff, v2  }
0x16e: {  	v12 =	vmin.f32 v17, $8.390655000e+06;
	s9 =	sor.u32 $0x200, s1;
	s21 =	sor.u32 $0x300, s31;
	s28 =	sor.u32 $0x380, s1;
	[tilespmem:v9+s13+$0x0] =	vst.idx.add.f32.msk $0xffff, v2  }
0x16f: {  	s22 =	sor.u32 $0x280, s0;
	v0 =	vmin.f32 v0, $8.390655000e+06;
	v3 =	vmin.f32 v3, $8.390655000e+06;
	v9 =	vadd.s32 v1, v12;
	v44 =	vld [tilespmem:s23+$0x8100]  }
0x170: {  	v5 =	vand.u32 $0x7FFFFFFF, v5;
	v7 =	vadd.f32 $8.388607500e+06, v7;
	s25 =	sor.u32 $0x280, s1;
	[tilespmem:v6+s13+$0x0] =	vst.idx.add.f32.msk $0xffff, v2;
	v6 =	vmov v9  }
0x171: {  	v5 =	vadd.f32 $8.388607500e+06, v5;
	v18 =	vld [tilespmem:s23+$0x8010]  }
0x172: {  	v13 =	vmin.f32 v7, $8.390655000e+06;
	v45 =	vld [tilespmem:s23+$0x8110]  }
0x173: {  	s30 =	sadd.s32 $0x10, s0;
	v9 =	vmin.f32 v5, $8.390655000e+06;
	v43 =	vld [tilespmem:s9+$0x8000];
	s9 =	sor.u32 $0x380, s31  }
0x174: {  	s15 =	sor.u32 $0x380, s30;
	v46 =	vld [tilespmem:s23+$0x8120]  }
0x175: {  	s26 =	sor.u32 $0x380, s0;
	v47 =	vld [tilespmem:s23+$0x81B0]  }
0x176: {  	s0 =	sor.u32 $0x200, s0;
	v5 =	vld [tilespmem:s9+$0x8000]  }
0x177: {  	s1 =	sor.u32 $0x300, s1;
	v7 =	vld [tilespmem:s15+$0x8000]  }
0x178: {  	s9 =	sor.u32 $0x200, s31;
	v12 =	vld [tilespmem:s26+$0x8000]  }
0x179: {  	s26 =	sor.u32 $0x200, s30;
	v48 =	vld [tilespmem:s23+$0x80B0]  }
0x17a: {  	v49 =	vld [tilespmem:s23+$0x80A0]  }
0x17b: {  	v50 =	vld [tilespmem:s23+$0x8090];
	v5 =	vmul.f32 v5, v4  }
0x17c: {  	v17 =	vand.u32 $0x7FFFFFFF, v42;
	s29 =	sor.u32 $0x300, s30;
	v9 =	vadd.s32 v1, v9;
	v24 =	vld [tilespmem:s23+$0x8020];
	v7 =	vmul.f32 v7, v4  }
0x17d: {  	v36 =	vadd.f32 $8.388607500e+06, v17;
	v13 =	vadd.s32 v1, v13;
	s15 =	sor.u32 $0x280, s31;
	v51 =	vld [tilespmem:s23+$0x8030];
	v12 =	vmul.f32 v12, v4  }
0x17e: {  	v16 =	vadd.s32 v1, v16;
	v37 =	vadd.s32 v1, v0;
	v17 =	vadd.s32 v1, v3;
	v42 =	vld [tilespmem:s0+$0x8000]  }
0x17f: {  	v39 =	vmin.f32 v39, $8.390655000e+06;
	v40 =	vadd.s32 v1, v40;
	v3 =	vmin.f32 v36, $8.390655000e+06;
	v0 =	vld [tilespmem:s23+$0x8000]  }
0x180: {  	v54 =	vmin.f32 v41, $8.390655000e+06;
	v36 =	vadd.s32 v1, v3;
	v53 =	vmul.f32 v18, v4;
	v52 =	vld [tilespmem:s23+$0x8080]  }
0x181: {  	v41 =	vadd.s32 v1, v38;
	v38 =	vadd.s32 v1, v54;
	v18 =	vld [tilespmem:s1+$0x8000];
	v3 =	vmul.f32 v24, v4  }
0x182: {  	v35 =	vadd.s32 v1, v35;
	v53 =	vand.u32 $0x7FFFFFFF, v53;
	v54 =	vld [tilespmem:s9+$0x8000];
	v51 =	vmul.f32 v51, v4  }
0x183: {  	v25 =	vadd.s32 v1, v25;
	v53 =	vadd.f32 $8.388607500e+06, v53;
	v24 =	vld [tilespmem:s15+$0x8000];
	v3 =	vand.u32 $0x7FFFFFFF, v3  }
0x184: {  	v50 =	vmul.f32 v50, v4;
	v0 =	vmul.f32 v0, v4;
	v51 =	vand.u32 $0x7FFFFFFF, v51;
	[tilespmem:v30+s13+$0x0] =	vst.idx.add.f32.msk $0xffff, v2  }
0x185: {  	v53 =	vmin.f32 v53, $8.390655000e+06;
	v49 =	vmul.f32 v49, v4;
	v30 =	vld [tilespmem:s23+$0x8130];
	v52 =	vmul.f32 v52, v4  }
0x186: {  	v48 =	vmul.f32 v48, v4;
	v0 =	vand.u32 $0x7FFFFFFF, v0;
	[tilespmem:v8+s13+$0x0] =	vst.idx.add.f32.msk $0xffff, v2;
	v8 =	vadd.s32 v1, v53  }
0x187: {  	v44 =	vmul.f32 v44, v4;
	v50 =	vand.u32 $0x7FFFFFFF, v50;
	v3 =	vadd.f32 $8.388607500e+06, v3;
	[tilespmem:v15+s13+$0x0] =	vst.idx.add.f32.msk $0xffff, v2  }
0x188: {  	v45 =	vmul.f32 v45, v4;
	v48 =	vand.u32 $0x7FFFFFFF, v48;
	v51 =	vadd.f32 $8.388607500e+06, v51;
	[tilespmem:v25+s13+$0x0] =	vst.idx.add.f32.msk $0xffff, v2  }
0x189: {  	v15 =	vand.u32 $0x7FFFFFFF, v52;
	v25 =	vand.u32 $0x7FFFFFFF, v44;
	v44 =	vmul.f32 v46, v4;
	[tilespmem:v29+s13+$0x0] =	vst.idx.add.f32.msk $0xffff, v2  }
0x18a: {  	s0 =	sor.u32 $0x280, s30;
	v29 =	vadd.f32 $8.388607500e+06, v15;
	v25 =	vadd.f32 $8.388607500e+06, v25;
	v15 =	vmul.f32 v30, v4;
	[tilespmem:v27+s13+$0x0] =	vst.idx.add.f32.msk $0xffff, v2  }
0x18b: {  	v3 =	vmin.f32 v3, $8.390655000e+06;
	v30 =	vand.u32 $0x7FFFFFFF, v44;
	v44 =	vmul.f32 v47, v4;
	v27 =	vld [tilespmem:s23+$0x8180]  }
0x18c: {  	v30 =	vadd.f32 $8.388607500e+06, v30;
	v46 =	vand.u32 $0x7FFFFFFF, v15;
	v15 =	vadd.s32 v1, v3;
	[tilespmem:v33+s13+$0x0] =	vst.idx.add.f32.msk $0xffff, v2  }
0x18d: {  	v25 =	vmin.f32 v25, $8.390655000e+06;
	v33 =	vadd.f32 $8.388607500e+06, v48;
	v3 =	vld [tilespmem:s23+$0x8190];
	v46 =	vadd.f32 $8.388607500e+06, v46  }
0x18e: {  	v45 =	vand.u32 $0x7FFFFFFF, v45;
	v0 =	vadd.f32 $8.388607500e+06, v0;
	v30 =	vmin.f32 v30, $8.390655000e+06;
	[tilespmem:v31+s13+$0x0] =	vst.idx.add.f32.msk $0xffff, v2  }
0x18f: {  	v31 =	vadd.f32 $8.388607500e+06, v50;
	v47 =	vadd.s32 v1, v30;
	[tilespmem:v11+s13+$0x0] =	vst.idx.add.f32.msk $0xffff, v2;
	v11 =	vadd.s32 v1, v25  }
0x190: {  	v25 =	vmin.f32 v51, $8.390655000e+06;
	v30 =	vmin.f32 v46, $8.390655000e+06;
	v27 =	vmul.f32 v27, v4;
	[tilespmem:v34+s13+$0x0] =	vst.idx.add.f32.msk $0xffff, v2  }
0x191: {  	v0 =	vmin.f32 v0, $8.390655000e+06;
	v44 =	vand.u32 $0x7FFFFFFF, v44;
	v46 =	vadd.s32 v1, v30;
	v34 =	vld [tilespmem:s23+$0x81A0]  }
0x192: {  	v31 =	vmin.f32 v31, $8.390655000e+06;
	v30 =	vadd.s32 v1, v0;
	v48 =	vld [tilespmem:s28+$0x8000];
	v50 =	vand.u32 $0x7FFFFFFF, v27  }
0x193: {  	v45 =	vadd.f32 $8.388607500e+06, v45;
	v44 =	vadd.f32 $8.388607500e+06, v44;
	v3 =	vmul.f32 v3, v4;
	v0 =	vld [tilespmem:s24+$0x8000]  }
0x194: {  	v43 =	vmul.f32 v43, v4;
	v49 =	vand.u32 $0x7FFFFFFF, v49;
	v27 =	vmin.f32 v29, $8.390655000e+06;
	v51 =	vld [tilespmem:s29+$0x8000]  }
0x195: {  	v29 =	vadd.s32 v1, v27;
	v27 =	vadd.s32 v1, v31;
	v3 =	vand.u32 $0x7FFFFFFF, v3;
	v52 =	vld [tilespmem:s25+$0x8000]  }
0x196: {  	v3 =	vadd.f32 $8.388607500e+06, v3;
	v53 =	vld [tilespmem:s0+$0x8000];
	v31 =	vmul.f32 v34, v4;
	v34 =	vand.u32 $0x7FFFFFFF, v43  }
0x197: {  	v33 =	vmin.f32 v33, $8.390655000e+06;
	v43 =	vadd.f32 $8.388607500e+06, v49;
	v34 =	vadd.f32 $8.388607500e+06, v34;
	[tilespmem:v10+s13+$0x0] =	vst.idx.add.f32.msk $0xffff, v2;
	v10 =	vmovc v47  }
0x198: {  	v3 =	vmin.f32 v3, $8.390655000e+06;
	v31 =	vand.u32 $0x7FFFFFFF, v31;
	v0 =	vmul.f32 v0, v4;
	[tilespmem:v14+s13+$0x0] =	vst.idx.add.f32.msk $0xffff, v2;
	v14 =	vmovc v46  }
0x199: {  	v44 =	vmin.f32 v44, $8.390655000e+06;
	v47 =	vadd.f32 $8.388607500e+06, v50;
	v3 =	vadd.s32 v1, v3;
	v46 =	vld [tilespmem:s21+$0x8000]  }
0x19a: {  	v50 =	vmul.f32 v54, v4;
	v43 =	vmin.f32 v43, $8.390655000e+06;
	v49 =	vld [tilespmem:s22+$0x8000];
	v52 =	vmul.f32 v52, v4  }
0x19b: {  	v32 =	vadd.s32 v1, v32;
	v45 =	vmin.f32 v45, $8.390655000e+06;
	v44 =	vadd.s32 v1, v44;
	v54 =	vld [tilespmem:s26+$0x8000]  }
0x19c: {  	v47 =	vmin.f32 v47, $8.390655000e+06;
	v55 =	vadd.f32 $8.388607500e+06, v31;
	v31 =	vand.u32 $0x7FFFFFFF, v52;
	[tilespmem:v28+s13+$0x0] =	vst.idx.add.f32.msk $0xffff, v2  }
0x19d: {  	v28 =	vmul.f32 v42, v4;
	v42 =	vadd.f32 $8.388607500e+06, v31;
	v31 =	vadd.s32 v1, v33;
	[tilespmem:v21+s13+$0x0] =	vst.idx.add.f32.msk $0xffff, v2  }
0x19e: {  	v50 =	vand.u32 $0x7FFFFFFF, v50;
	v34 =	vmin.f32 v34, $8.390655000e+06;
	v33 =	vadd.s32 v1, v43;
	v21 =	vmovc v3;
	[tilespmem:v35+s13+$0x0] =	vst.idx.add.f32.msk $0xffff, v2  }
0x19f: {  	v43 =	vadd.f32 $8.388607500e+06, v50;
	v50 =	vadd.s32 v1, v34;
	v3 =	vand.u32 $0x7FFFFFFF, v28;
	[tilespmem:v19+s13+$0x0] =	vst.idx.add.f32.msk $0xffff, v2;
	v19 =	vmovc v44  }
0x1a0: {  	v28 =	vadd.s32 v1, v47;
	v3 =	vadd.f32 $8.388607500e+06, v3;
	v44 =	vmul.f32 v54, v4;
	[tilespmem:v26+s13+$0x0] =	vst.idx.add.f32.msk $0xffff, v2  }
0x1a1: {  	v34 =	vadd.s32 v1, v45;
	v35 =	vmin.f32 v55, $8.390655000e+06;
	v26 =	vmin.f32 v43, $8.390655000e+06;
	[tilespmem:v32+s13+$0x0] =	vst.idx.add.f32.msk $0xffff, v2  }
0x1a2: {  	v3 =	vmin.f32 v3, $8.390655000e+06;
	v32 =	vmin.f32 v42, $8.390655000e+06;
	[tilespmem:v23+s13+$0x0] =	vst.idx.add.f32.msk $0xffff, v2;
	v23 =	vadd.s32 v1, v26  }
0x1a3: {  	v42 =	vand.u32 $0x7FFFFFFF, v44;
	v26 =	vadd.s32 v1, v3;
	v3 =	vadd.s32 v1, v32;
	[tilespmem:v22+s13+$0x0] =	vst.idx.add.f32.msk $0xffff, v2  }
0x1a4: {  	v43 =	vmul.f32 v53, v4;
	v45 =	vadd.f32 $8.388607500e+06, v42;
	v42 =	vmul.f32 v49, v4;
	[tilespmem:v40+s13+$0x0] =	vst.idx.add.f32.msk $0xffff, v2  }
.Ltmp2:
0x1a5: {  	v0 =	vand.u32 $0x7FFFFFFF, v0;
	v44 =	vadd.s32 v1, v39;
	v40 =	vmul.f32 v46, v4;
	[tilespmem:v41+s13+$0x0] =	vst.idx.add.f32.msk $0xffff, v2;
	(pc) =	sbr.rel @p1 .LBB2_7-.Ltmp2, $4  }
0x1a6: {  	v22 =	vmovc v50;
	v32 =	vmin.f32 v45, $8.390655000e+06;
	v39 =	vand.u32 $0x7FFFFFFF, v42;
	v41 =	vand.u32 $0x7FFFFFFF, v43;
	[tilespmem:v37+s13+$0x0] =	vst.idx.add.f32.msk $0xffff, v2  }
0x1a7: {  	v37 =	vadd.f32 $8.388607500e+06, v39;
	v43 =	vadd.f32 $8.388607500e+06, v41;
	v39 =	vand.u32 $0x7FFFFFFF, v40;
	[tilespmem:v20+s13+$0x0] =	vst.idx.add.f32.msk $0xffff, v2;
	v20 =	vmovc v3  }
0x1a8: {  	v42 =	vmul.f32 v51, v4;
	v41 =	vadd.f32 $8.388607500e+06, v0;
	v39 =	vadd.f32 $8.388607500e+06, v39;
	[tilespmem:v38+s13+$0x0] =	vst.idx.add.f32.msk $0xffff, v2  }
0x1a9: {  	p0 =	por !p0, !p0;
	s19 =	sadd.s32 $0x200, s19;
	s21 =	smov.u32 s20;
	v40 =	vmin.f32 v37, $8.390655000e+06;
	v38 =	vmin.f32 v43, $8.390655000e+06;
	v43 =	vmul.f32 v48, v4;
	[tilespmem:v36+s13+$0x0] =	vst.idx.add.f32.msk $0xffff, v2  }
0x1aa: {  	_ =	sdelay $0x3  }
0x1ab: {  	[tilespmem:v44+s13+$0x0] =	vst.idx.add.f32.msk $0xffff, v2  }
0x1ac: {  	[tilespmem:v30+s13+$0x0] =	vst.idx.add.f32.msk $0xffff, v2  }
0x1ad: {  	[tilespmem:v17+s13+$0x0] =	vst.idx.add.f32.msk $0xffff, v2  }
0x1ae: {  	[tilespmem:v8+s13+$0x0] =	vst.idx.add.f32.msk $0xffff, v2  }
0x1af: {  	v0 =	vadd.s32 v1, v25;
	[tilespmem:v16+s13+$0x0] =	vst.idx.add.f32.msk $0xffff, v2  }
0x1b0: {  	[tilespmem:v15+s13+$0x0] =	vst.idx.add.f32.msk $0xffff, v2  }
0x1b1: {  	[tilespmem:v13+s13+$0x0] =	vst.idx.add.f32.msk $0xffff, v2  }
0x1b2: {  	[tilespmem:v9+s13+$0x0] =	vst.idx.add.f32.msk $0xffff, v2  }
0x1b3: {  	[tilespmem:v6+s13+$0x0] =	vst.idx.add.f32.msk $0xffff, v2  }
0x1b4: {  	[tilespmem:v0+s13+$0x0] =	vst.idx.add.f32.msk $0xffff, v2  }
0x1b5: {  	[tilespmem:v29+s13+$0x0] =	vst.idx.add.f32.msk $0xffff, v2  }
0x1b6: {  	[tilespmem:v27+s13+$0x0] =	vst.idx.add.f32.msk $0xffff, v2  }
0x1b7: {  	[tilespmem:v33+s13+$0x0] =	vst.idx.add.f32.msk $0xffff, v2  }
0x1b8: {  	[tilespmem:v31+s13+$0x0] =	vst.idx.add.f32.msk $0xffff, v2  }
0x1b9: {  	[tilespmem:v11+s13+$0x0] =	vst.idx.add.f32.msk $0xffff, v2  }
0x1ba: {  	v0 =	vadd.s32 v1, v35;
	[tilespmem:v34+s13+$0x0] =	vst.idx.add.f32.msk $0xffff, v2  }
0x1bb: {  	[tilespmem:v10+s13+$0x0] =	vst.idx.add.f32.msk $0xffff, v2  }
0x1bc: {  	v3 =	vmul.f32 v24, v4;
	[tilespmem:v14+s13+$0x0] =	vst.idx.add.f32.msk $0xffff, v2  }
0x1bd: {  	v6 =	vadd.s32 v1, v32;
	[tilespmem:v28+s13+$0x0] =	vst.idx.add.f32.msk $0xffff, v2  }
0x1be: {  	v3 =	vand.u32 $0x7FFFFFFF, v3;
	[tilespmem:v21+s13+$0x0] =	vst.idx.add.f32.msk $0xffff, v2  }
0x1bf: {  	v57 =	vand.u32 $0x7FFFFFFF, v12;
	v3 =	vadd.f32 $8.388607500e+06, v3;
	[tilespmem:v0+s13+$0x0] =	vst.idx.add.f32.msk $0xffff, v2  }
0x1c0: {  	v58 =	vadd.s32 v1, v40;
	v59 =	vand.u32 $0x7FFFFFFF, v42;
	v60 =	vadd.s32 v1, v38;
	[tilespmem:v19+s13+$0x0] =	vst.idx.add.f32.msk $0xffff, v2  }
0x1c1: {  	v62 =	vmin.f32 v39, $8.390655000e+06;
	v3 =	vmin.f32 v3, $8.390655000e+06;
	v0 =	vmul.f32 v18, v4;
	[tilespmem:v26+s13+$0x0] =	vst.idx.add.f32.msk $0xffff, v2  }
0x1c2: {  	v5 =	vand.u32 $0x7FFFFFFF, v5;
	v3 =	vadd.s32 v1, v3;
	v10 =	vadd.f32 $8.388607500e+06, v59;
	[tilespmem:v6+s13+$0x0] =	vst.idx.add.f32.msk $0xffff, v2  }
0x1c3: {  	v0 =	vand.u32 $0x7FFFFFFF, v0;
	v6 =	vand.u32 $0x7FFFFFFF, v7;
	v7 =	vmin.f32 v41, $8.390655000e+06;
	[tilespmem:v23+s13+$0x0] =	vst.idx.add.f32.msk $0xffff, v2  }
0x1c4: {  	v10 =	vmin.f32 v10, $8.390655000e+06;
	v0 =	vadd.f32 $8.388607500e+06, v0;
	v7 =	vadd.s32 v1, v7;
	[tilespmem:v22+s13+$0x0] =	vst.idx.add.f32.msk $0xffff, v2  }
0x1c5: {  	v8 =	vadd.f32 $8.388607500e+06, v57;
	v61 =	vand.u32 $0x7FFFFFFF, v43;
	v10 =	vadd.s32 v1, v10;
	[tilespmem:v58+s13+$0x0] =	vst.idx.add.f32.msk $0xffff, v2  }
0x1c6: {  	v63 =	vadd.s32 v1, v62;
	v6 =	vadd.f32 $8.388607500e+06, v6;
	v0 =	vmin.f32 v0, $8.390655000e+06;
	[tilespmem:v60+s13+$0x0] =	vst.idx.add.f32.msk $0xffff, v2  }
0x1c7: {  	v5 =	vadd.f32 $8.388607500e+06, v5;
	v8 =	vmin.f32 v8, $8.390655000e+06;
	v0 =	vadd.s32 v1, v0;
	[tilespmem:v3+s13+$0x0] =	vst.idx.add.f32.msk $0xffff, v2  }
0x1c8: {  	v8 =	vadd.s32 v1, v8;
	v6 =	vmin.f32 v6, $8.390655000e+06;
	v3 =	vadd.f32 $8.388607500e+06, v61;
	[tilespmem:v20+s13+$0x0] =	vst.idx.add.f32.msk $0xffff, v2  }
0x1c9: {  	v5 =	vmin.f32 v5, $8.390655000e+06;
	v6 =	vadd.s32 v1, v6;
	[tilespmem:v7+s13+$0x0] =	vst.idx.add.f32.msk $0xffff, v2  }
0x1ca: {  	s18 =	sadd.s32 $0x1, s18;
	v5 =	vadd.s32 v1, v5;
	v3 =	vmin.f32 v3, $8.390655000e+06;
	[tilespmem:v10+s13+$0x0] =	vst.idx.add.f32.msk $0xffff, v2  }
0x1cb: {  	p0 =	sne.s32 s18, $0x10;
	v3 =	vadd.s32 v1, v3;
	[tilespmem:v63+s13+$0x0] =	vst.idx.add.f32.msk $0xffff, v2  }
.Ltmp3:
0x1cc: {  	[tilespmem:v0+s13+$0x0] =	vst.idx.add.f32.msk $0xffff, v2;
	(pc) =	sbr.rel @p0 .LBB2_4-.Ltmp3, $4  }
0x1cd: {  	[tilespmem:v8+s13+$0x0] =	vst.idx.add.f32.msk $0xffff, v2  }
0x1ce: {  	[tilespmem:v6+s13+$0x0] =	vst.idx.add.f32.msk $0xffff, v2  }
0x1cf: {  	[tilespmem:v5+s13+$0x0] =	vst.idx.add.f32.msk $0xffff, v2  }
0x1d0: {  	[tilespmem:v3+s13+$0x0] =	vst.idx.add.f32.msk $0xffff, v2  }
0x1d1: {  	s17 =	simm.s32 $0x0  }
0x1d2: {  	v0 =	vld [tilespmem:s17+$0x10020]  }
0x1d3: {  	v3 =	vld [tilespmem:s17+$0x10830]  }
0x1d4: {  	v4 =	vld [tilespmem:s17+$0x10010]  }
0x1d5: {  	v5 =	vld [tilespmem:s17+$0x11040]  }
0x1d6: {  	v6 =	vld [tilespmem:s17+$0x10820]  }
0x1d7: {  	v7 =	vld [tilespmem:s17+$0x11850]  }
0x1d8: {  	v8 =	vld [tilespmem:s17+$0x11030];
	v0 =	vadd.f32 v3, v0  }
0x1d9: {  	v3 =	vld [tilespmem:s17+$0x12060]  }
0x1da: {  	v9 =	vld [tilespmem:s17+$0x11840];
	v0 =	vadd.f32 v5, v0  }
0x1db: {  	s18 =	simm.s32 $0x0;
	v4 =	vadd.f32 v6, v4;
	v5 =	vld [tilespmem:s17+$0x12870]  }
0x1dc: {  	s19 =	sand.u32 $0x7E0, s18;
	v6 =	vld [tilespmem:s17+$0x12050];
	v0 =	vadd.f32 v7, v0  }
0x1dd: {  	v4 =	vadd.f32 v8, v4;
	v7 =	vld [tilespmem:s19+$0x13080]  }
0x1de: {  	v8 =	vld [tilespmem:s17+$0x12860];
	v0 =	vadd.f32 v3, v0  }
0x1df: {  	v4 =	vadd.f32 v9, v4;
	v3 =	vld [tilespmem:s17+$0x13890]  }
0x1e0: {  	v9 =	vld [tilespmem:s17+$0x13070];
	v0 =	vadd.f32 v5, v0  }
0x1e1: {  	v4 =	vadd.f32 v6, v4;
	v5 =	vld [tilespmem:s17+$0x140A0]  }
0x1e2: {  	v6 =	vld [tilespmem:s19+$0x13880];
	v0 =	vadd.f32 v7, v0  }
0x1e3: {  	v4 =	vadd.f32 v8, v4;
	v7 =	vld [tilespmem:s17+$0x148B0]  }
0x1e4: {  	v8 =	vld [tilespmem:s17+$0x14090];
	v0 =	vadd.f32 v3, v0  }
0x1e5: {  	v4 =	vadd.f32 v9, v4;
	v3 =	vld [tilespmem:s17+$0x150C0]  }
0x1e6: {  	v9 =	vld [tilespmem:s17+$0x148A0];
	v0 =	vadd.f32 v5, v0  }
0x1e7: {  	v4 =	vadd.f32 v6, v4;
	v5 =	vld [tilespmem:s17+$0x158D0]  }
0x1e8: {  	v6 =	vld [tilespmem:s17+$0x150B0];
	v0 =	vadd.f32 v7, v0  }
0x1e9: {  	v10 =	vld [tilespmem:s17+$0x160E0];
	v4 =	vadd.f32 v8, v4  }
0x1ea: {  	v8 =	vld [tilespmem:s17+$0x158C0];
	v0 =	vadd.f32 v3, v0  }
0x1eb: {  	v9 =	vadd.f32 v9, v4;
	v3 =	vld [tilespmem:s17+$0x168F0]  }
0x1ec: {  	v7 =	vld [tilespmem:s17+$0x160D0];
	v0 =	vadd.f32 v5, v0  }
0x1ed: {  	v4 =	vld [tilespmem:s19+$0x17100];
	v9 =	vadd.f32 v6, v9  }
0x1ee: {  	v5 =	vld [tilespmem:s17+$0x168E0];
	v0 =	vadd.f32 v10, v0  }
0x1ef: {  	v6 =	vld [tilespmem:s17+$0x17910];
	v10 =	vadd.f32 v8, v9  }
0x1f0: {  	s20 =	simm.s32 $0x0;
	s21 =	simm.s32 $0x80;
	v8 =	vld [tilespmem:s17+$0x170F0];
	v9 =	vadd.f32 v3, v0  }
.LBB2_10:
0x1f1: {  	s0 =	sshra.s32 s21, $0x2;
	v0 =	vadd.f32 v7, v10;
	v3 =	vld [tilespmem:s19+$0x17900]  }
0x1f2: {  	s20 =	sadd.s32 $0x2, s20;
	v7 =	vld [tilespmem:s0+$0x10020];
	v4 =	vadd.f32 v4, v9  }
0x1f3: {  	p0 =	slt.u32 s20, $0x7E;
	v9 =	vld [tilespmem:s0+$0x10830];
	v0 =	vadd.f32 v5, v0  }
0x1f4: {  	v5 =	vld [tilespmem:s0+$0x10010];
	v4 =	vadd.f32 v6, v4  }
0x1f5: {  	v6 =	vld [tilespmem:s0+$0x11040];
	v0 =	vadd.f32 v8, v0  }
0x1f6: {  	v8 =	vld [tilespmem:s0+$0x10820];
	[tilespmem:s17+$0x18110] =	vst v4  }
0x1f7: {  	v4 =	vld [tilespmem:s0+$0x11850];
	v0 =	vadd.f32 v3, v0  }
0x1f8: {  	v3 =	vld [tilespmem:s0+$0x11030];
	v7 =	vadd.f32 v9, v7  }
0x1f9: {  	v9 =	vld [tilespmem:s0+$0x12060];
	[tilespmem:s17+$0x18100] =	vst v0;
	s17 =	smov.u32 s0  }
0x1fa: {  	v0 =	vld [tilespmem:s17+$0x11840];
	v6 =	vadd.f32 v6, v7  }
0x1fb: {  	s18 =	sadd.s32 $0x20, s18;
	v5 =	vadd.f32 v8, v5;
	v7 =	vld [tilespmem:s17+$0x12870]  }
0x1fc: {  	s19 =	sand.u32 $0x7E0, s18;
	v8 =	vld [tilespmem:s17+$0x12050];
	v4 =	vadd.f32 v4, v6  }
0x1fd: {  	v3 =	vadd.f32 v3, v5;
	v5 =	vld [tilespmem:s19+$0x13080]  }
0x1fe: {  	v6 =	vld [tilespmem:s17+$0x12860];
	v4 =	vadd.f32 v9, v4  }
0x1ff: {  	v0 =	vadd.f32 v0, v3;
	v3 =	vld [tilespmem:s17+$0x13890]  }
0x200: {  	v9 =	vld [tilespmem:s17+$0x13070];
	v4 =	vadd.f32 v7, v4  }
0x201: {  	v0 =	vadd.f32 v8, v0;
	v7 =	vld [tilespmem:s17+$0x140A0]  }
0x202: {  	v8 =	vld [tilespmem:s19+$0x13880];
	v4 =	vadd.f32 v5, v4  }
0x203: {  	v0 =	vadd.f32 v6, v0;
	v5 =	vld [tilespmem:s17+$0x148B0]  }
0x204: {  	v6 =	vld [tilespmem:s17+$0x14090];
	v3 =	vadd.f32 v3, v4  }
0x205: {  	v0 =	vadd.f32 v9, v0;
	v4 =	vld [tilespmem:s17+$0x150C0]  }
0x206: {  	v9 =	vld [tilespmem:s17+$0x148A0];
	v3 =	vadd.f32 v7, v3  }
0x207: {  	v0 =	vadd.f32 v8, v0;
	v8 =	vld [tilespmem:s17+$0x158D0]  }
0x208: {  	v10 =	vld [tilespmem:s17+$0x150B0];
	v3 =	vadd.f32 v5, v3  }
0x209: {  	v0 =	vadd.f32 v6, v0;
	v6 =	vld [tilespmem:s17+$0x160E0]  }
0x20a: {  	v11 =	vld [tilespmem:s17+$0x158C0];
	v3 =	vadd.f32 v4, v3  }
0x20b: {  	v0 =	vadd.f32 v9, v0;
	v9 =	vld [tilespmem:s17+$0x168F0]  }
.Ltmp4:
0x20c: {  	v7 =	vld [tilespmem:s17+$0x160D0];
	v3 =	vadd.f32 v8, v3;
	(pc) =	sbr.rel @p0 .LBB2_10-.Ltmp4, $4  }
0x20d: {  	v0 =	vadd.f32 v10, v0;
	v4 =	vld [tilespmem:s19+$0x17100]  }
0x20e: {  	v5 =	vld [tilespmem:s17+$0x168E0];
	v3 =	vadd.f32 v6, v3  }
0x20f: {  	v10 =	vadd.f32 v11, v0;
	v6 =	vld [tilespmem:s17+$0x17910]  }
0x210: {  	s21 =	sadd.s32 $0x80, s21;
	v8 =	vld [tilespmem:s17+$0x170F0];
	v9 =	vadd.f32 v9, v3  }
0x211: {  	v0 =	vadd.f32 v7, v10  }
0x212: {  	v3 =	vld [tilespmem:s19+$0x17900]  }
0x213: {  	v0 =	vadd.f32 v5, v0  }
0x214: {  	v4 =	vadd.f32 v4, v9  }
0x215: {  	v0 =	vadd.f32 v8, v0  }
0x216: {  	v4 =	vadd.f32 v6, v4  }
0x217: {  	v0 =	vadd.f32 v3, v0  }
0x218: {  	[tilespmem:s17+$0x18110] =	vst v4  }
0x219: {  	[tilespmem:s17+$0x18100] =	vst v0  }
0x21a: {  	v0 =	vld [tilespmem:$0x1FFF0];
	_ =	sdelay $0x7  }
0x21b: {  	v0 =	vld.idx.msk [tilespmem:v0+s13+$0x0], $0xffff;
	_ =	sdelay $0x4  }
0x21c: {  	(xrf2) =	vadd.scan.msk.f32 $0xffff, v0;
	_ =	sdelay $0x8  }
0x21d: {  	v0 =	vld [tilespmem:$0x18100]  }
0x21e: {  	v3, _, _ =	vpop (xrf2)  }
0x21f: {  	v3 =	vbroadcast v3, $0xF;
	_ =	sdelay $0x1  }
0x220: {  	v3 =	vnsel vm0, $0x0, v3  }
0x221: {  	s16 =	sadd.s32 $0x1, s16;
	v0 =	vadd.f32 v3, v0  }
0x222: {  	p0 =	sne.s32 s16, s7  }
.Ltmp5:
0x223: {  	s0 =	simm.s32 $0x18100;
	[tilespmem:$0x18100] =	vst v0;
	(pc) =	sbr.rel @p0 .LBB2_1-.Ltmp5, $4  }
0x224: {  	[hbm4b:s6+s3] =	stream.linear.scatter [tilespmem:s0], [sflag:$0x3], $0x800, $0x38;
	[tilespmem:$0x18980] =	vst v63  }
0x225: {  	_ =	swait.ge [sflag:s10], $0x800  }
0x226: {  	[sflag:s10] =	ssyncset.done $0x0  }
0x227: {  	v0 =	vimm.f32 $0.0e+00;
	[sflag:s10] =	ssyncadd.s32 $0xFFFFF800  }
0x228: {  	_ =	sfence.sel $0x180000  }
0x229: {  	[bflag:$0x0] =	sbarrier.arrive $0xFFFF  }
0x22a: {  	_ =	strace $0x90000047  }
0x22b: {  	s0 =	stileid.u32;
	[bflag:$0x2] =	sbarrier.arrive $0xFFFF  }
0x22c: {  	p0 =	sne.s32 s0, $0x0;
	s0 =	rddreg [dreg:$0x2]  }
0x22d: {  	s0 =	sadd.s32 @!p0 $0x100000, s0  }
0x22e: {  	[sflag:s0] =	ssyncadd.tile.s32 @!p0 $0x1;
	_ =	shalt  }
.Lfunc_end2:
_tile_overlayer_lowered:
.L_overlay_start_2:
0x22f: {  	(tag) =	ssettag $0x2  }
0x230: {  	s0 =	rddreg [dreg:$0x0];
	s2 =	stileid.u32  }
0x231: {  	s1 =	rddreg [dreg:$0x1];
	p0 =	sne.s32 s2, $0x0  }
0x232: {  	s3 =	rddreg [dreg:$0x2];
	[bflag:$0x3] =	sbarrier.arrive $0xFFFF;
	s2 =	simm.s32 @!p0 $0x1C03  }
0x233: {  	[timem:s3], [sflag:s2] =	dma.local @!p0 [hbm:s0], s1  }
0x234: {  	s0 =	simm.s32 @!p0 $0x3  }
0x235: {  	_ =	swait.ge @!p0 [sflag:s0], s1  }
0x236: {  	s1 =	ssub.s32 @!p0 $0x0, s1;
	[sflag:s0] =	ssyncset.done @!p0 $0x0  }
0x237: {  	[sflag:s0] =	ssyncadd.s32 @!p0 s1  }
0x238: {  	[bflag:$0x3] =	sbarrier.arrive $0xFFFF  }
0x239: {  	_ =	shalt  }

</sc_bundles>
